<compile_context>
chip_gen: v7x
topology: tpu7x:2x2x1
jax: 0.10.2.dev20260603
libtpu: 0.0.44.dev20260713+nightly
codegen_flags: <defaults>
</compile_context>

<pallas_src>
import functools

import jax
import jax.numpy as jnp
from jax import lax
from jax.experimental import pallas as pl
from jax.experimental.pallas import tpu as pltpu
from jax.experimental.pallas import tpu_sc as plsc

N = 10000
D = 128
E = 320000
NP = 10240
NC = 2
NS = 16
NW = NC * NS
K = 79
EPW = K * 128
EP = NW * EPW
RPT = NP // NS
KA = 99
KB = 59
KS = 50
KM = 100

_MESH = plsc.VectorSubcoreMesh(core_axis_name="c", subcore_axis_name="s")



def _hist_body(dst_hbm, out_hbm, dst_v, hist_v):
    c = lax.axis_index("c")
    s = lax.axis_index("s")
    w = c * NS + s
    pltpu.sync_copy(dst_hbm.at[w], dst_v)

    zeros16 = jnp.zeros((16,), jnp.float32)

    def zero_body(i, carry):
        hist_v[pl.ds(i * 16, 16)] = zeros16
        return carry

    lax.fori_loop(0, NP // 16, zero_body, 0)

    ones16 = jnp.ones((16,), jnp.float32)

    def edge_body(j, carry):
        for t in range(8):
            idx = dst_v[j, pl.ds(t * 16, 16)]
            plsc.addupdate_scatter(hist_v, [idx], ones16)
        return carry

    lax.fori_loop(0, K, edge_body, 0)
    pltpu.sync_copy(hist_v, out_hbm.at[w])


@functools.partial(
    pl.kernel,
    mesh=_MESH,
    out_type=jax.ShapeDtypeStruct((NW, NP), jnp.float32),
    scratch_types=[
        pltpu.VMEM((K, 128), jnp.int32),
        pltpu.VMEM((NP,), jnp.float32),
    ],
    compiler_params=pltpu.CompilerParams(needs_layout_passes=False),
)
def _hist_kernel(dst_hbm, out_hbm, dst_v, hist_v):
    _hist_body(dst_hbm, out_hbm, dst_v, hist_v)


def _agg_body(xs_hbm, src_hbm, dst_hbm, out_hbm, src_v, dst_v, rows_v, zero_v,
              acc, sem):
    c = lax.axis_index("c")
    s = lax.axis_index("s")

    zeros16 = jnp.zeros((16,), jnp.float32)

    def zfill(i, carry):
        zero_v[i // 8, pl.ds((i % 8) * 16, 16)] = zeros16
        return carry

    lax.fori_loop(0, 64 * 8, zfill, 0)

    def zcopy(t, carry):
        pltpu.sync_copy(zero_v, acc.at[pl.ds(s * RPT + t * 64, 64)])
        return carry

    lax.fori_loop(0, RPT // 64, zcopy, 0)
    plsc.subcore_barrier()

    w = c * NS + s
    kc = jnp.where(c == 0, KA, KB)
    for h in range(2):
        pltpu.sync_copy(src_hbm.at[w * 2 + h], src_v)
        pltpu.sync_copy(dst_hbm.at[w * 2 + h], dst_v)
        kh = jnp.minimum(jnp.maximum(kc - h * KS, 0), KS)

        def edge_body(j, carry):
            pltpu.async_copy(xs_hbm.at[src_v.at[j]], rows_v, sem).wait()
            pltpu.sync_copy(rows_v, acc.at[dst_v.at[j]], add=True)
            return carry

        lax.fori_loop(0, kh, edge_body, 0)

    plsc.subcore_barrier()
    pltpu.sync_copy(acc.at[pl.ds(s * RPT, RPT)],
                    out_hbm.at[c, pl.ds(s * RPT, RPT)])


@functools.partial(
    pl.kernel,
    mesh=_MESH,
    out_type=jax.ShapeDtypeStruct((NC, NP, D), jnp.float32),
    scratch_types=[
        pltpu.VMEM((KS, 128), jnp.int32),
        pltpu.VMEM((KS, 128), jnp.int32),
        pltpu.VMEM((128, D), jnp.float32),
        pltpu.VMEM((64, D), jnp.float32),
        pltpu.VMEM_SHARED((NP, D), jnp.float32),
        pltpu.SemaphoreType.DMA,
    ],
)
def _agg_kernel(xs_hbm, src_hbm, dst_hbm, out_hbm, src_v, dst_v, rows_v,
                zero_v, acc, sem):
    _agg_body(xs_hbm, src_hbm, dst_hbm, out_hbm, src_v, dst_v, rows_v, zero_v,
              acc, sem)



BLK = 1024


def _tc1_body(x_ref, w_ref, hist_ref, xs_ref, dinv_ref):
    i = pl.program_id(0)
    deg = jnp.sum(hist_ref[...], axis=0) + 1.0
    row = i * BLK + lax.broadcasted_iota(jnp.int32, (BLK,), 0)
    dinv = jnp.where(row < N, lax.rsqrt(deg), 0.0)
    xs_ref[...] = jnp.dot(x_ref[...] * dinv[:, None], w_ref[...],
                          preferred_element_type=jnp.float32)
    dinv_ref[...] = dinv[:, None]


def _tc1(x_pad, W1, hist):
    return pl.pallas_call(
        _tc1_body,
        grid=(NP // BLK,),
        in_specs=[
            pl.BlockSpec((BLK, D), lambda i: (i, 0)),
            pl.BlockSpec((D, D), lambda i: (0, 0)),
            pl.BlockSpec((NW, BLK), lambda i: (0, i)),
        ],
        out_specs=[
            pl.BlockSpec((BLK, D), lambda i: (i, 0)),
            pl.BlockSpec((BLK, 1), lambda i: (i, 0)),
        ],
        out_shape=[
            jax.ShapeDtypeStruct((NP, D), jnp.float32),
            jax.ShapeDtypeStruct((NP, 1), jnp.float32),
        ],
    )(x_pad, W1, hist)


def _tc2_body(agg_ref, xs1_ref, dinv_ref, b1_ref, w_ref, out_ref):
    dinv = dinv_ref[...]
    tot = agg_ref[0] + agg_ref[1] + xs1_ref[...]
    h = jnp.maximum(tot * dinv + b1_ref[...], 0.0)
    out_ref[...] = jnp.dot(h * dinv, w_ref[...],
                           preferred_element_type=jnp.float32)


def _tc2(agg, xs1, dinv, b1, W2):
    return pl.pallas_call(
        _tc2_body,
        grid=(NP // BLK,),
        in_specs=[
            pl.BlockSpec((NC, BLK, D), lambda i: (0, i, 0)),
            pl.BlockSpec((BLK, D), lambda i: (i, 0)),
            pl.BlockSpec((BLK, 1), lambda i: (i, 0)),
            pl.BlockSpec((1, D), lambda i: (0, 0)),
            pl.BlockSpec((D, D), lambda i: (0, 0)),
        ],
        out_specs=pl.BlockSpec((BLK, D), lambda i: (i, 0)),
        out_shape=jax.ShapeDtypeStruct((NP, D), jnp.float32),
    )(agg, xs1, dinv, b1, W2)


def _tc3_body(agg_ref, xs2_ref, dinv_ref, b2_ref, wd_ref, bd_ref,
              h2_ref, xr_ref):
    dinv = dinv_ref[...]
    h2 = (agg_ref[0] + agg_ref[1] + xs2_ref[...]) * dinv + b2_ref[...]
    h2_ref[...] = h2
    xr_ref[...] = lax.dot_general(
        h2, wd_ref[...], (((1,), (1,)), ((), ())),
        preferred_element_type=jnp.float32) + bd_ref[...]


def _tc3(agg, xs2, dinv, b2, Wd, bd):
    return pl.pallas_call(
        _tc3_body,
        grid=(NP // BLK,),
        in_specs=[
            pl.BlockSpec((NC, BLK, D), lambda i: (0, i, 0)),
            pl.BlockSpec((BLK, D), lambda i: (i, 0)),
            pl.BlockSpec((BLK, 1), lambda i: (i, 0)),
            pl.BlockSpec((1, D), lambda i: (0, 0)),
            pl.BlockSpec((D, D), lambda i: (0, 0)),
            pl.BlockSpec((1, D), lambda i: (0, 0)),
        ],
        out_specs=[
            pl.BlockSpec((BLK, D), lambda i: (i, 0)),
            pl.BlockSpec((BLK, D), lambda i: (i, 0)),
        ],
        out_shape=[
            jax.ShapeDtypeStruct((NP, D), jnp.float32),
            jax.ShapeDtypeStruct((NP, D), jnp.float32),
        ],
    )(agg, xs2, dinv, b2, Wd, bd)



def kernel(x, edge_index, W1, b1, W2, b2, Wd, bd):
    src = edge_index[0].astype(jnp.int32)
    dst = edge_index[1].astype(jnp.int32)
    pad_idx = jnp.full((EP - E,), NP - 1, jnp.int32)
    srcp = jnp.concatenate([src, pad_idx]).reshape(NW, K, 128)
    dstp = jnp.concatenate([dst, pad_idx]).reshape(NW, K, 128)
    x_pad = jnp.zeros((NP, D), jnp.float32).at[:N].set(x)

    def split_blocks(v):
        blocks = jnp.concatenate([v, pad_idx]).reshape(NW * K, 128)
        a = blocks[:NS * KA].reshape(NS, KA, 128)
        a = jnp.pad(a, ((0, 0), (0, KM - KA), (0, 0)))
        b = blocks[NS * KA:].reshape(NS, KB, 128)
        b = jnp.pad(b, ((0, 0), (0, KM - KB), (0, 0)))
        return jnp.concatenate([a, b]).reshape(NW * 2, KS, 128)

    srcw = split_blocks(src)
    dstw = split_blocks(dst)

    hist = _hist_kernel(dstp)
    xs1, dinv = _tc1(x_pad, W1, hist)
    agg1 = _agg_kernel(xs1, srcw, dstw)
    xs2 = _tc2(agg1, xs1, dinv, b1.reshape(1, D), W2)
    agg2 = _agg_kernel(xs2, srcw, dstw)
    h2p, xrp = _tc3(agg2, xs2, dinv, b2.reshape(1, D), Wd, bd.reshape(1, D))
    return (xrp[:N], h2p[:N])

# --- scband reference (transcript-rebuilt; emitter-appended) ---
"""Pipeline reference for scband-gcn-47631187312871 (READ-ONLY COPY).

The authoritative reference and input builder live on the scoring server;
editing this copy changes nothing except your own understanding.
"""

import jax, jax.numpy as jnp
import numpy as np

N = 10000
E = 320000
IN = 128
HID = 128
OUT = 128


def setup_inputs(seed: int = 0) -> dict:
    key = jax.random.key(seed)
    ks = jax.random.split(key, 8)
    x = jax.random.normal(ks[0], (N, IN), dtype=jnp.float32)
    edge_index = jax.random.randint(ks[1], (2, E), 0, N, dtype=jnp.int64)
    W1 = jax.random.normal(ks[2], (IN, HID), dtype=jnp.float32) * (1.0 / np.sqrt(IN))
    b1 = jnp.zeros((HID,), dtype=jnp.float32)
    W2 = jax.random.normal(ks[3], (HID, OUT), dtype=jnp.float32) * (1.0 / np.sqrt(HID))
    b2 = jnp.zeros((OUT,), dtype=jnp.float32)
    # nn.Linear(out_channels, in_channels): weight shape [IN, OUT], y = h @ W^T + b
    Wd = jax.random.normal(ks[4], (IN, OUT), dtype=jnp.float32) * (1.0 / np.sqrt(OUT))
    bd = jnp.zeros((IN,), dtype=jnp.float32)
    return {"x": x, "edge_index": edge_index, "W1": W1, "b1": b1, "W2": W2, "b2": b2, "Wd": Wd, "bd": bd}


def gcn_conv(x, W, b, edge_index, num_nodes):
    # GCNConv with self-loops and symmetric normalization (PyG defaults)
    loop = jnp.arange(num_nodes, dtype=edge_index.dtype)
    src = jnp.concatenate([edge_index[0], loop])
    dst = jnp.concatenate([edge_index[1], loop])
    xw = x @ W
    deg = jnp.zeros((num_nodes,), dtype=xw.dtype).at[dst].add(1.0)
    dinv = jnp.where(deg > 0, jax.lax.rsqrt(deg), 0.0)
    norm = dinv[src] * dinv[dst]
    msg = xw[src] * norm[:, None]
    out = jax.ops.segment_sum(msg, dst, num_segments=num_nodes)
    return out + b


def reference(x, edge_index, W1, b1, W2, b2, Wd, bd):
    h = gcn_conv(x, W1, b1, edge_index, N)
    h = jax.nn.relu(h)
    # dropout is identity in eval mode
    h2 = gcn_conv(h, W2, b2, edge_index, N)
    x_recon = h2 @ Wd.T + bd
    return (x_recon, h2)

if __name__ == "__main__":
    import jax
    _d = setup_inputs()
    print(jax.jit(kernel)(*tuple(_d.values())))

</pallas_src>

<mosaic_0001>
#map = affine_map<(d0, d1) -> (0, 0)>
#map1 = affine_map<(d0, d1) -> (0, 0, 0)>
module attributes {stable_mosaic.version = 14 : i64} {
  func.func @_agg_kernel(%arg0: i32, %arg1: i32, %arg2: memref<10240x128xf32, #tpu.memory_space<hbm>>, %arg3: memref<64x50x128xi32, #tpu.memory_space<hbm>>, %arg4: memref<64x50x128xi32, #tpu.memory_space<hbm>>, %arg5: memref<2x10240x128xf32, #tpu.memory_space<hbm>>, %arg6: memref<50x128xi32, #tpu.memory_space<vmem>>, %arg7: memref<50x128xi32, #tpu.memory_space<vmem>>, %arg8: memref<128x128xf32, #tpu.memory_space<vmem>>, %arg9: memref<64x128xf32, #tpu.memory_space<vmem>>, %arg10: memref<10240x128xf32, #tpu.memory_space<vmem_shared>>, %arg11: memref<!tpu.dma_semaphore, #tpu.memory_space<semaphore_mem>>) attributes {dimension_semantics = [#tpu.dimension_semantics<core_parallel>, #tpu.dimension_semantics<subcore_parallel>], iteration_bounds = array<i64: 2, 16>, scalar_prefetch = 0 : i64, scratch_operands = 6 : i64, tpu.core_type = #tpu.core_type<sc_vector_subcore>, window_params = [{transform_indices = #map}, {transform_indices = #map1}, {transform_indices = #map1}, {transform_indices = #map1}]} {
    %broadcast_in_dim3A = arith.constant 0.000000e+00 : f32
    %broadcast_in_dim3A_0 = vector.broadcast %broadcast_in_dim3A : f32 to vector<16xf32>
    %scan3A = arith.constant 0 : i32
    %scan3A_1 = arith.constant 0 : i32
    %scan3A_2 = arith.constant 512 : i32
    %scan3A_3 = arith.addi %scan3A_1, %scan3A_2 : i32
    %scan3A_4 = arith.constant 1 : i32
    scf.for %scan3A_64 = %scan3A_1 to %scan3A_3 step %scan3A_4  : i32 {
      %jit3A_65 = arith.constant 8 : i32
      %div3A = arith.divsi %scan3A_64, %jit3A_65 : i32
      %sign3A = arith.constant 0 : i32
      %sign3A_66 = arith.cmpi sgt, %scan3A_64, %sign3A : i32
      %sign3A_67 = arith.extui %sign3A_66 : i1 to i32
      %sign3A_68 = arith.constant 0 : i32
      %sign3A_69 = arith.cmpi slt, %scan3A_64, %sign3A_68 : i32
      %sign3A_70 = arith.extui %sign3A_69 : i1 to i32
      %sign3A_71 = arith.subi %sign3A_67, %sign3A_70 : i32
      %sign3A_72 = arith.constant 0 : i32
      %sign3A_73 = arith.cmpi sgt, %jit3A_65, %sign3A_72 : i32
      %sign3A_74 = arith.extui %sign3A_73 : i1 to i32
      %sign3A_75 = arith.constant 0 : i32
      %sign3A_76 = arith.cmpi slt, %jit3A_65, %sign3A_75 : i32
      %sign3A_77 = arith.extui %sign3A_76 : i1 to i32
      %sign3A_78 = arith.subi %sign3A_74, %sign3A_77 : i32
      %ne3A = arith.cmpi ne, %sign3A_71, %sign3A_78 : i32
      %rem3A = arith.remsi %scan3A_64, %jit3A_65 : i32
      %ne3A_79 = arith.constant 0 : i32
      %ne3A_80 = arith.cmpi ne, %rem3A, %ne3A_79 : i32
      %and3A = arith.andi %ne3A, %ne3A_80 : i1
      %sub3A_81 = arith.constant 1 : i32
      %sub3A_82 = arith.subi %div3A, %sub3A_81 : i32
      %select_n3A_83 = arith.select %and3A, %sub3A_82, %div3A : i32
      %jit3A_84 = arith.constant 8 : i32
      %eq3A_85 = arith.constant 0 : i32
      %eq3A_86 = arith.cmpi eq, %jit3A_84, %eq3A_85 : i32
      %jit3A_87 = arith.constant 1 : i32
      %select_n3A_88 = arith.select %eq3A_86, %jit3A_87, %jit3A_84 : i32
      %rem3A_89 = arith.remsi %scan3A_64, %select_n3A_88 : i32
      %ne3A_90 = arith.constant 0 : i32
      %ne3A_91 = arith.cmpi ne, %rem3A_89, %ne3A_90 : i32
      %lt3A = arith.constant 0 : i32
      %lt3A_92 = arith.cmpi slt, %rem3A_89, %lt3A : i32
      %lt3A_93 = arith.constant 0 : i32
      %lt3A_94 = arith.cmpi slt, %select_n3A_88, %lt3A_93 : i32
      %ne3A_95 = arith.xori %lt3A_92, %lt3A_94 : i1
      %and3A_96 = arith.andi %ne3A_95, %ne3A_91 : i1
      %add3A_97 = arith.addi %rem3A_89, %select_n3A_88 : i32
      %select_n3A_98 = arith.select %and3A_96, %add3A_97, %rem3A_89 : i32
      %mul3A_99 = arith.constant 16 : i32
      %mul3A_100 = arith.muli %select_n3A_98, %mul3A_99 : i32
      %swap3A = arith.index_cast %select_n3A_83 : i32 to index
      %swap3A_101 = arith.index_cast %mul3A_100 : i32 to index
      %swap3A_102 = tpu.vector_load %arg9[%swap3A, %swap3A_101] {strides = array<i32>} : memref<64x128xf32, #tpu.memory_space<vmem>>, vector<1x16xf32>,
      %swap3A_103 = vector.shape_cast %swap3A_102 : vector<1x16xf32> to vector<16xf32>
      %swap3A_104 = vector.shape_cast %broadcast_in_dim3A_0 : vector<16xf32> to vector<1x16xf32>
      tpu.vector_store %arg9[%swap3A, %swap3A_101], %swap3A_104 {strides = array<i32>} : memref<64x128xf32, #tpu.memory_space<vmem>>, vector<1x16xf32>,
    }
    %scan3A_5 = arith.constant 512 : i32
    %scan3A_6 = arith.constant 0 : i32
    %scan3A_7 = arith.constant 0 : i32
    %scan3A_8 = arith.constant 10 : i32
    %scan3A_9 = arith.addi %scan3A_7, %scan3A_8 : i32
    %scan3A_10 = arith.constant 1 : i32
    scf.for %scan3A_64 = %scan3A_7 to %scan3A_9 step %scan3A_10  : i32 {
      %mul3A_65 = arith.constant 640 : i32
      %mul3A_66 = arith.muli %arg1, %mul3A_65 : i32
      %mul3A_67 = arith.constant 64 : i32
      %mul3A_68 = arith.muli %scan3A_64, %mul3A_67 : i32
      %add3A_69 = arith.addi %mul3A_66, %mul3A_68 : i32
      "tpu.region"() ({
        %run_scoped3A = tpu.sem_alloc : memref<!tpu.dma_semaphore, #tpu.memory_space<semaphore_mem>>
        %dma_start3A = arith.constant 0 : i32
        %dma_start3A_70 = tpu.memref_slice %arg10[%add3A_69, %dma_start3A] : memref<10240x128xf32, #tpu.memory_space<vmem_shared>> -> memref<64x128xf32, #tpu.memory_space<vmem_shared>>
        %dma_start3A_71 = arith.constant 0 : i32
        %dma_start3A_72 = tpu.memref_slice %arg10[%add3A_69, %dma_start3A_71] : memref<10240x128xf32, #tpu.memory_space<vmem_shared>> -> memref<64x128xf32, #tpu.memory_space<vmem_shared>>
        tpu.enqueue_dma source(%arg9 : memref<64x128xf32, #tpu.memory_space<vmem>>) target(%dma_start3A_72 : memref<64x128xf32, #tpu.memory_space<vmem_shared>>) target_semaphore(%run_scoped3A : memref<!tpu.dma_semaphore, #tpu.memory_space<semaphore_mem>>)
        %dma_wait3A = arith.constant 0 : i32
        %dma_wait3A_73 = tpu.memref_slice %arg10[%add3A_69, %dma_wait3A] : memref<10240x128xf32, #tpu.memory_space<vmem_shared>> -> memref<64x128xf32, #tpu.memory_space<vmem_shared>>
        %dma_wait3A_74 = arith.constant 0 : i32
        %dma_wait3A_75 = tpu.memref_slice %arg10[%add3A_69, %dma_wait3A_74] : memref<10240x128xf32, #tpu.memory_space<vmem_shared>> -> memref<64x128xf32, #tpu.memory_space<vmem_shared>>
        tpu.wait_dma2 semaphore(%run_scoped3A : memref<!tpu.dma_semaphore, #tpu.memory_space<semaphore_mem>>) src(%arg9 : memref<64x128xf32, #tpu.memory_space<vmem>>) dst(%dma_wait3A_75 : memref<64x128xf32, #tpu.memory_space<vmem_shared>>)
        tpu.yield
      }) : () -> ()
    }
    %scan3A_11 = arith.constant 10 : i32
    %barrier3A = arith.constant 0 : index
    tpu.barrier barrier_id(%barrier3A)
    %mul3A = arith.constant 16 : i32
    %mul3A_12 = arith.muli %arg0, %mul3A : i32
    %add3A = arith.addi %mul3A_12, %arg1 : i32
    %eq3A = arith.constant 0 : i32
    %eq3A_13 = arith.cmpi eq, %arg0, %eq3A : i32
    %jit3A = arith.constant 99 : i32
    %jit3A_14 = arith.constant 59 : i32
    %select_n3A = arith.select %eq3A_13, %jit3A, %jit3A_14 : i32
    %mul3A_15 = arith.constant 2 : i32
    %mul3A_16 = arith.muli %add3A, %mul3A_15 : i32
    %add3A_17 = arith.constant 0 : i32
    %add3A_18 = arith.addi %mul3A_16, %add3A_17 : i32
    "tpu.region"() ({
      %run_scoped3A = tpu.sem_alloc : memref<!tpu.dma_semaphore, #tpu.memory_space<semaphore_mem>>
      %dma_start3A = arith.constant 0 : i32
      %dma_start3A_64 = arith.constant 0 : i32
      %dma_start3A_65 = tpu.memref_slice %arg3[%add3A_18, %dma_start3A, %dma_start3A_64] : memref<64x50x128xi32, #tpu.memory_space<hbm>> -> memref<1x50x128xi32, #tpu.memory_space<hbm>>
      %dma_start3A_66 = tpu.memref_squeeze %dma_start3A_65 : memref<1x50x128xi32, #tpu.memory_space<hbm>> -> memref<50x128xi32, #tpu.memory_space<hbm>>
      %dma_start3A_67 = arith.constant 0 : i32
      %dma_start3A_68 = arith.constant 0 : i32
      %dma_start3A_69 = tpu.memref_slice %arg3[%add3A_18, %dma_start3A_67, %dma_start3A_68] : memref<64x50x128xi32, #tpu.memory_space<hbm>> -> memref<1x50x128xi32, #tpu.memory_space<hbm>>
      %dma_start3A_70 = tpu.memref_squeeze %dma_start3A_69 : memref<1x50x128xi32, #tpu.memory_space<hbm>> -> memref<50x128xi32, #tpu.memory_space<hbm>>
      tpu.enqueue_dma source(%dma_start3A_70 : memref<50x128xi32, #tpu.memory_space<hbm>>) target(%arg6 : memref<50x128xi32, #tpu.memory_space<vmem>>) target_semaphore(%run_scoped3A : memref<!tpu.dma_semaphore, #tpu.memory_space<semaphore_mem>>)
      %dma_wait3A = arith.constant 0 : i32
      %dma_wait3A_71 = arith.constant 0 : i32
      %dma_wait3A_72 = tpu.memref_slice %arg3[%add3A_18, %dma_wait3A, %dma_wait3A_71] : memref<64x50x128xi32, #tpu.memory_space<hbm>> -> memref<1x50x128xi32, #tpu.memory_space<hbm>>
      %dma_wait3A_73 = tpu.memref_squeeze %dma_wait3A_72 : memref<1x50x128xi32, #tpu.memory_space<hbm>> -> memref<50x128xi32, #tpu.memory_space<hbm>>
      %dma_wait3A_74 = arith.constant 0 : i32
      %dma_wait3A_75 = arith.constant 0 : i32
      %dma_wait3A_76 = tpu.memref_slice %arg3[%add3A_18, %dma_wait3A_74, %dma_wait3A_75] : memref<64x50x128xi32, #tpu.memory_space<hbm>> -> memref<1x50x128xi32, #tpu.memory_space<hbm>>
      %dma_wait3A_77 = tpu.memref_squeeze %dma_wait3A_76 : memref<1x50x128xi32, #tpu.memory_space<hbm>> -> memref<50x128xi32, #tpu.memory_space<hbm>>
      tpu.wait_dma2 semaphore(%run_scoped3A : memref<!tpu.dma_semaphore, #tpu.memory_space<semaphore_mem>>) src(%dma_wait3A_77 : memref<50x128xi32, #tpu.memory_space<hbm>>) dst(%arg6 : memref<50x128xi32, #tpu.memory_space<vmem>>)
      tpu.yield
    }) : () -> ()
    %mul3A_19 = arith.constant 2 : i32
    %mul3A_20 = arith.muli %add3A, %mul3A_19 : i32
    %add3A_21 = arith.constant 0 : i32
    %add3A_22 = arith.addi %mul3A_20, %add3A_21 : i32
    "tpu.region"() ({
      %run_scoped3A = tpu.sem_alloc : memref<!tpu.dma_semaphore, #tpu.memory_space<semaphore_mem>>
      %dma_start3A = arith.constant 0 : i32
      %dma_start3A_64 = arith.constant 0 : i32
      %dma_start3A_65 = tpu.memref_slice %arg4[%add3A_22, %dma_start3A, %dma_start3A_64] : memref<64x50x128xi32, #tpu.memory_space<hbm>> -> memref<1x50x128xi32, #tpu.memory_space<hbm>>
      %dma_start3A_66 = tpu.memref_squeeze %dma_start3A_65 : memref<1x50x128xi32, #tpu.memory_space<hbm>> -> memref<50x128xi32, #tpu.memory_space<hbm>>
      %dma_start3A_67 = arith.constant 0 : i32
      %dma_start3A_68 = arith.constant 0 : i32
      %dma_start3A_69 = tpu.memref_slice %arg4[%add3A_22, %dma_start3A_67, %dma_start3A_68] : memref<64x50x128xi32, #tpu.memory_space<hbm>> -> memref<1x50x128xi32, #tpu.memory_space<hbm>>
      %dma_start3A_70 = tpu.memref_squeeze %dma_start3A_69 : memref<1x50x128xi32, #tpu.memory_space<hbm>> -> memref<50x128xi32, #tpu.memory_space<hbm>>
      tpu.enqueue_dma source(%dma_start3A_70 : memref<50x128xi32, #tpu.memory_space<hbm>>) target(%arg7 : memref<50x128xi32, #tpu.memory_space<vmem>>) target_semaphore(%run_scoped3A : memref<!tpu.dma_semaphore, #tpu.memory_space<semaphore_mem>>)
      %dma_wait3A = arith.constant 0 : i32
      %dma_wait3A_71 = arith.constant 0 : i32
      %dma_wait3A_72 = tpu.memref_slice %arg4[%add3A_22, %dma_wait3A, %dma_wait3A_71] : memref<64x50x128xi32, #tpu.memory_space<hbm>> -> memref<1x50x128xi32, #tpu.memory_space<hbm>>
      %dma_wait3A_73 = tpu.memref_squeeze %dma_wait3A_72 : memref<1x50x128xi32, #tpu.memory_space<hbm>> -> memref<50x128xi32, #tpu.memory_space<hbm>>
      %dma_wait3A_74 = arith.constant 0 : i32
      %dma_wait3A_75 = arith.constant 0 : i32
      %dma_wait3A_76 = tpu.memref_slice %arg4[%add3A_22, %dma_wait3A_74, %dma_wait3A_75] : memref<64x50x128xi32, #tpu.memory_space<hbm>> -> memref<1x50x128xi32, #tpu.memory_space<hbm>>
      %dma_wait3A_77 = tpu.memref_squeeze %dma_wait3A_76 : memref<1x50x128xi32, #tpu.memory_space<hbm>> -> memref<50x128xi32, #tpu.memory_space<hbm>>
      tpu.wait_dma2 semaphore(%run_scoped3A : memref<!tpu.dma_semaphore, #tpu.memory_space<semaphore_mem>>) src(%dma_wait3A_77 : memref<50x128xi32, #tpu.memory_space<hbm>>) dst(%arg7 : memref<50x128xi32, #tpu.memory_space<vmem>>)
      tpu.yield
    }) : () -> ()
    %sub3A = arith.constant 0 : i32
    %sub3A_23 = arith.subi %select_n3A, %sub3A : i32
    %max3A = arith.constant 0 : i32
    %max3A_24 = arith.maxsi %sub3A_23, %max3A : i32
    %min3A = arith.constant 50 : i32
    %min3A_25 = arith.minsi %max3A_24, %min3A : i32
    %while3A = arith.constant 0 : i32
    %while3A_26 = arith.constant 0 : i32
    %while3A_27 = arith.subi %min3A_25, %while3A_26 : i32
    %while3A_28 = arith.addi %while3A_26, %while3A_27 : i32
    %while3A_29 = arith.constant 1 : i32
    %while3A_30 = arith.divsi %while3A_27, %while3A_29 : i32
    %while3A_31 = arith.muli %while3A_30, %while3A_29 : i32
    %while3A_32 = arith.addi %while3A_26, %while3A_31 : i32
    %while3A_33 = arith.constant 1 : i32
    scf.for %while3A_64 = %while3A_26 to %while3A_32 step %while3A_33  : i32 {
      %dma_start3A = arith.constant 0 : i32
      %dma_start3A_65 = tpu.memref_slice %arg6[%while3A_64, %dma_start3A] : memref<50x128xi32, #tpu.memory_space<vmem>> -> memref<1x128xi32, #tpu.memory_space<vmem>>
      %dma_start3A_66 = tpu.memref_squeeze %dma_start3A_65 : memref<1x128xi32, #tpu.memory_space<vmem>> -> memref<128xi32, #tpu.memory_space<vmem>>
      %dma_start3A_67 = arith.constant 0 : i32
      %dma_start3A_68 = arith.constant 0 : i32
      %dma_start3A_69 = tpu.memref_slice %arg2[%dma_start3A_67, %dma_start3A_68] : memref<10240x128xf32, #tpu.memory_space<hbm>> -> memref<10240x128xf32, #tpu.memory_space<hbm>>
      tpu.enqueue_indirect_dma source(%dma_start3A_69 : memref<10240x128xf32, #tpu.memory_space<hbm>>) target(%arg8 : memref<128x128xf32, #tpu.memory_space<vmem>>) offsets(%dma_start3A_66 : memref<128xi32, #tpu.memory_space<vmem>>) semaphore(%arg11 : memref<!tpu.dma_semaphore, #tpu.memory_space<semaphore_mem>>)
      %dma_wait3A = arith.constant 0 : i32
      %dma_wait3A_70 = tpu.memref_slice %arg6[%while3A_64, %dma_wait3A] : memref<50x128xi32, #tpu.memory_space<vmem>> -> memref<1x128xi32, #tpu.memory_space<vmem>>
      %dma_wait3A_71 = tpu.memref_squeeze %dma_wait3A_70 : memref<1x128xi32, #tpu.memory_space<vmem>> -> memref<128xi32, #tpu.memory_space<vmem>>
      %dma_wait3A_72 = arith.constant 0 : i32
      %dma_wait3A_73 = arith.constant 0 : i32
      %dma_wait3A_74 = tpu.memref_slice %arg2[%dma_wait3A_72, %dma_wait3A_73] : memref<10240x128xf32, #tpu.memory_space<hbm>> -> memref<10240x128xf32, #tpu.memory_space<hbm>>
      tpu.wait_indirect_dma semaphore(%arg11 : memref<!tpu.dma_semaphore, #tpu.memory_space<semaphore_mem>>) src(%dma_wait3A_74 : memref<10240x128xf32, #tpu.memory_space<hbm>>) dst(%arg8 : memref<128x128xf32, #tpu.memory_space<vmem>>)
      "tpu.region"() ({
        %run_scoped3A = tpu.sem_alloc : memref<!tpu.dma_semaphore, #tpu.memory_space<semaphore_mem>>
        %dma_start3A_75 = arith.constant 0 : i32
        %dma_start3A_76 = tpu.memref_slice %arg7[%while3A_64, %dma_start3A_75] : memref<50x128xi32, #tpu.memory_space<vmem>> -> memref<1x128xi32, #tpu.memory_space<vmem>>
        %dma_start3A_77 = tpu.memref_squeeze %dma_start3A_76 : memref<1x128xi32, #tpu.memory_space<vmem>> -> memref<128xi32, #tpu.memory_space<vmem>>
        %dma_start3A_78 = arith.constant 0 : i32
        %dma_start3A_79 = arith.constant 0 : i32
        %dma_start3A_80 = tpu.memref_slice %arg10[%dma_start3A_78, %dma_start3A_79] : memref<10240x128xf32, #tpu.memory_space<vmem_shared>> -> memref<10240x128xf32, #tpu.memory_space<vmem_shared>>
        tpu.enqueue_indirect_dma source(%arg8 : memref<128x128xf32, #tpu.memory_space<vmem>>) target(%dma_start3A_80 : memref<10240x128xf32, #tpu.memory_space<vmem_shared>>) offsets(%dma_start3A_77 : memref<128xi32, #tpu.memory_space<vmem>>) semaphore(%run_scoped3A : memref<!tpu.dma_semaphore, #tpu.memory_space<semaphore_mem>>) {add = true}
        %dma_wait3A_81 = arith.constant 0 : i32
        %dma_wait3A_82 = tpu.memref_slice %arg7[%while3A_64, %dma_wait3A_81] : memref<50x128xi32, #tpu.memory_space<vmem>> -> memref<1x128xi32, #tpu.memory_space<vmem>>
        %dma_wait3A_83 = tpu.memref_squeeze %dma_wait3A_82 : memref<1x128xi32, #tpu.memory_space<vmem>> -> memref<128xi32, #tpu.memory_space<vmem>>
        %dma_wait3A_84 = arith.constant 0 : i32
        %dma_wait3A_85 = arith.constant 0 : i32
        %dma_wait3A_86 = tpu.memref_slice %arg10[%dma_wait3A_84, %dma_wait3A_85] : memref<10240x128xf32, #tpu.memory_space<vmem_shared>> -> memref<10240x128xf32, #tpu.memory_space<vmem_shared>>
        tpu.wait_indirect_dma semaphore(%run_scoped3A : memref<!tpu.dma_semaphore, #tpu.memory_space<semaphore_mem>>) src(%arg8 : memref<128x128xf32, #tpu.memory_space<vmem>>) dst(%dma_wait3A_86 : memref<10240x128xf32, #tpu.memory_space<vmem_shared>>)
        tpu.yield
      }) : () -> ()
    }
    %while3A_34 = arith.constant 1 : i32
    scf.for %while3A_64 = %while3A_32 to %while3A_28 step %while3A_34  : i32 {
      %dma_start3A = arith.constant 0 : i32
      %dma_start3A_65 = tpu.memref_slice %arg6[%while3A_64, %dma_start3A] : memref<50x128xi32, #tpu.memory_space<vmem>> -> memref<1x128xi32, #tpu.memory_space<vmem>>
      %dma_start3A_66 = tpu.memref_squeeze %dma_start3A_65 : memref<1x128xi32, #tpu.memory_space<vmem>> -> memref<128xi32, #tpu.memory_space<vmem>>
      %dma_start3A_67 = arith.constant 0 : i32
      %dma_start3A_68 = arith.constant 0 : i32
      %dma_start3A_69 = tpu.memref_slice %arg2[%dma_start3A_67, %dma_start3A_68] : memref<10240x128xf32, #tpu.memory_space<hbm>> -> memref<10240x128xf32, #tpu.memory_space<hbm>>
      tpu.enqueue_indirect_dma source(%dma_start3A_69 : memref<10240x128xf32, #tpu.memory_space<hbm>>) target(%arg8 : memref<128x128xf32, #tpu.memory_space<vmem>>) offsets(%dma_start3A_66 : memref<128xi32, #tpu.memory_space<vmem>>) semaphore(%arg11 : memref<!tpu.dma_semaphore, #tpu.memory_space<semaphore_mem>>)
      %dma_wait3A = arith.constant 0 : i32
      %dma_wait3A_70 = tpu.memref_slice %arg6[%while3A_64, %dma_wait3A] : memref<50x128xi32, #tpu.memory_space<vmem>> -> memref<1x128xi32, #tpu.memory_space<vmem>>
      %dma_wait3A_71 = tpu.memref_squeeze %dma_wait3A_70 : memref<1x128xi32, #tpu.memory_space<vmem>> -> memref<128xi32, #tpu.memory_space<vmem>>
      %dma_wait3A_72 = arith.constant 0 : i32
      %dma_wait3A_73 = arith.constant 0 : i32
      %dma_wait3A_74 = tpu.memref_slice %arg2[%dma_wait3A_72, %dma_wait3A_73] : memref<10240x128xf32, #tpu.memory_space<hbm>> -> memref<10240x128xf32, #tpu.memory_space<hbm>>
      tpu.wait_indirect_dma semaphore(%arg11 : memref<!tpu.dma_semaphore, #tpu.memory_space<semaphore_mem>>) src(%dma_wait3A_74 : memref<10240x128xf32, #tpu.memory_space<hbm>>) dst(%arg8 : memref<128x128xf32, #tpu.memory_space<vmem>>)
      "tpu.region"() ({
        %run_scoped3A = tpu.sem_alloc : memref<!tpu.dma_semaphore, #tpu.memory_space<semaphore_mem>>
        %dma_start3A_75 = arith.constant 0 : i32
        %dma_start3A_76 = tpu.memref_slice %arg7[%while3A_64, %dma_start3A_75] : memref<50x128xi32, #tpu.memory_space<vmem>> -> memref<1x128xi32, #tpu.memory_space<vmem>>
        %dma_start3A_77 = tpu.memref_squeeze %dma_start3A_76 : memref<1x128xi32, #tpu.memory_space<vmem>> -> memref<128xi32, #tpu.memory_space<vmem>>
        %dma_start3A_78 = arith.constant 0 : i32
        %dma_start3A_79 = arith.constant 0 : i32
        %dma_start3A_80 = tpu.memref_slice %arg10[%dma_start3A_78, %dma_start3A_79] : memref<10240x128xf32, #tpu.memory_space<vmem_shared>> -> memref<10240x128xf32, #tpu.memory_space<vmem_shared>>
        tpu.enqueue_indirect_dma source(%arg8 : memref<128x128xf32, #tpu.memory_space<vmem>>) target(%dma_start3A_80 : memref<10240x128xf32, #tpu.memory_space<vmem_shared>>) offsets(%dma_start3A_77 : memref<128xi32, #tpu.memory_space<vmem>>) semaphore(%run_scoped3A : memref<!tpu.dma_semaphore, #tpu.memory_space<semaphore_mem>>) {add = true}
        %dma_wait3A_81 = arith.constant 0 : i32
        %dma_wait3A_82 = tpu.memref_slice %arg7[%while3A_64, %dma_wait3A_81] : memref<50x128xi32, #tpu.memory_space<vmem>> -> memref<1x128xi32, #tpu.memory_space<vmem>>
        %dma_wait3A_83 = tpu.memref_squeeze %dma_wait3A_82 : memref<1x128xi32, #tpu.memory_space<vmem>> -> memref<128xi32, #tpu.memory_space<vmem>>
        %dma_wait3A_84 = arith.constant 0 : i32
        %dma_wait3A_85 = arith.constant 0 : i32
        %dma_wait3A_86 = tpu.memref_slice %arg10[%dma_wait3A_84, %dma_wait3A_85] : memref<10240x128xf32, #tpu.memory_space<vmem_shared>> -> memref<10240x128xf32, #tpu.memory_space<vmem_shared>>
        tpu.wait_indirect_dma semaphore(%run_scoped3A : memref<!tpu.dma_semaphore, #tpu.memory_space<semaphore_mem>>) src(%arg8 : memref<128x128xf32, #tpu.memory_space<vmem>>) dst(%dma_wait3A_86 : memref<10240x128xf32, #tpu.memory_space<vmem_shared>>)
        tpu.yield
      }) : () -> ()
    }
    %mul3A_35 = arith.constant 2 : i32
    %mul3A_36 = arith.muli %add3A, %mul3A_35 : i32
    %add3A_37 = arith.constant 1 : i32
    %add3A_38 = arith.addi %mul3A_36, %add3A_37 : i32
    "tpu.region"() ({
      %run_scoped3A = tpu.sem_alloc : memref<!tpu.dma_semaphore, #tpu.memory_space<semaphore_mem>>
      %dma_start3A = arith.constant 0 : i32
      %dma_start3A_64 = arith.constant 0 : i32
      %dma_start3A_65 = tpu.memref_slice %arg3[%add3A_38, %dma_start3A, %dma_start3A_64] : memref<64x50x128xi32, #tpu.memory_space<hbm>> -> memref<1x50x128xi32, #tpu.memory_space<hbm>>
      %dma_start3A_66 = tpu.memref_squeeze %dma_start3A_65 : memref<1x50x128xi32, #tpu.memory_space<hbm>> -> memref<50x128xi32, #tpu.memory_space<hbm>>
      %dma_start3A_67 = arith.constant 0 : i32
      %dma_start3A_68 = arith.constant 0 : i32
      %dma_start3A_69 = tpu.memref_slice %arg3[%add3A_38, %dma_start3A_67, %dma_start3A_68] : memref<64x50x128xi32, #tpu.memory_space<hbm>> -> memref<1x50x128xi32, #tpu.memory_space<hbm>>
      %dma_start3A_70 = tpu.memref_squeeze %dma_start3A_69 : memref<1x50x128xi32, #tpu.memory_space<hbm>> -> memref<50x128xi32, #tpu.memory_space<hbm>>
      tpu.enqueue_dma source(%dma_start3A_70 : memref<50x128xi32, #tpu.memory_space<hbm>>) target(%arg6 : memref<50x128xi32, #tpu.memory_space<vmem>>) target_semaphore(%run_scoped3A : memref<!tpu.dma_semaphore, #tpu.memory_space<semaphore_mem>>)
      %dma_wait3A = arith.constant 0 : i32
      %dma_wait3A_71 = arith.constant 0 : i32
      %dma_wait3A_72 = tpu.memref_slice %arg3[%add3A_38, %dma_wait3A, %dma_wait3A_71] : memref<64x50x128xi32, #tpu.memory_space<hbm>> -> memref<1x50x128xi32, #tpu.memory_space<hbm>>
      %dma_wait3A_73 = tpu.memref_squeeze %dma_wait3A_72 : memref<1x50x128xi32, #tpu.memory_space<hbm>> -> memref<50x128xi32, #tpu.memory_space<hbm>>
      %dma_wait3A_74 = arith.constant 0 : i32
      %dma_wait3A_75 = arith.constant 0 : i32
      %dma_wait3A_76 = tpu.memref_slice %arg3[%add3A_38, %dma_wait3A_74, %dma_wait3A_75] : memref<64x50x128xi32, #tpu.memory_space<hbm>> -> memref<1x50x128xi32, #tpu.memory_space<hbm>>
      %dma_wait3A_77 = tpu.memref_squeeze %dma_wait3A_76 : memref<1x50x128xi32, #tpu.memory_space<hbm>> -> memref<50x128xi32, #tpu.memory_space<hbm>>
      tpu.wait_dma2 semaphore(%run_scoped3A : memref<!tpu.dma_semaphore, #tpu.memory_space<semaphore_mem>>) src(%dma_wait3A_77 : memref<50x128xi32, #tpu.memory_space<hbm>>) dst(%arg6 : memref<50x128xi32, #tpu.memory_space<vmem>>)
      tpu.yield
    }) : () -> ()
    %mul3A_39 = arith.constant 2 : i32
    %mul3A_40 = arith.muli %add3A, %mul3A_39 : i32
    %add3A_41 = arith.constant 1 : i32
    %add3A_42 = arith.addi %mul3A_40, %add3A_41 : i32
    "tpu.region"() ({
      %run_scoped3A = tpu.sem_alloc : memref<!tpu.dma_semaphore, #tpu.memory_space<semaphore_mem>>
      %dma_start3A = arith.constant 0 : i32
      %dma_start3A_64 = arith.constant 0 : i32
      %dma_start3A_65 = tpu.memref_slice %arg4[%add3A_42, %dma_start3A, %dma_start3A_64] : memref<64x50x128xi32, #tpu.memory_space<hbm>> -> memref<1x50x128xi32, #tpu.memory_space<hbm>>
      %dma_start3A_66 = tpu.memref_squeeze %dma_start3A_65 : memref<1x50x128xi32, #tpu.memory_space<hbm>> -> memref<50x128xi32, #tpu.memory_space<hbm>>
      %dma_start3A_67 = arith.constant 0 : i32
      %dma_start3A_68 = arith.constant 0 : i32
      %dma_start3A_69 = tpu.memref_slice %arg4[%add3A_42, %dma_start3A_67, %dma_start3A_68] : memref<64x50x128xi32, #tpu.memory_space<hbm>> -> memref<1x50x128xi32, #tpu.memory_space<hbm>>
      %dma_start3A_70 = tpu.memref_squeeze %dma_start3A_69 : memref<1x50x128xi32, #tpu.memory_space<hbm>> -> memref<50x128xi32, #tpu.memory_space<hbm>>
      tpu.enqueue_dma source(%dma_start3A_70 : memref<50x128xi32, #tpu.memory_space<hbm>>) target(%arg7 : memref<50x128xi32, #tpu.memory_space<vmem>>) target_semaphore(%run_scoped3A : memref<!tpu.dma_semaphore, #tpu.memory_space<semaphore_mem>>)
      %dma_wait3A = arith.constant 0 : i32
      %dma_wait3A_71 = arith.constant 0 : i32
      %dma_wait3A_72 = tpu.memref_slice %arg4[%add3A_42, %dma_wait3A, %dma_wait3A_71] : memref<64x50x128xi32, #tpu.memory_space<hbm>> -> memref<1x50x128xi32, #tpu.memory_space<hbm>>
      %dma_wait3A_73 = tpu.memref_squeeze %dma_wait3A_72 : memref<1x50x128xi32, #tpu.memory_space<hbm>> -> memref<50x128xi32, #tpu.memory_space<hbm>>
      %dma_wait3A_74 = arith.constant 0 : i32
      %dma_wait3A_75 = arith.constant 0 : i32
      %dma_wait3A_76 = tpu.memref_slice %arg4[%add3A_42, %dma_wait3A_74, %dma_wait3A_75] : memref<64x50x128xi32, #tpu.memory_space<hbm>> -> memref<1x50x128xi32, #tpu.memory_space<hbm>>
      %dma_wait3A_77 = tpu.memref_squeeze %dma_wait3A_76 : memref<1x50x128xi32, #tpu.memory_space<hbm>> -> memref<50x128xi32, #tpu.memory_space<hbm>>
      tpu.wait_dma2 semaphore(%run_scoped3A : memref<!tpu.dma_semaphore, #tpu.memory_space<semaphore_mem>>) src(%dma_wait3A_77 : memref<50x128xi32, #tpu.memory_space<hbm>>) dst(%arg7 : memref<50x128xi32, #tpu.memory_space<vmem>>)
      tpu.yield
    }) : () -> ()
    %sub3A_43 = arith.constant 50 : i32
    %sub3A_44 = arith.subi %select_n3A, %sub3A_43 : i32
    %max3A_45 = arith.constant 0 : i32
    %max3A_46 = arith.maxsi %sub3A_44, %max3A_45 : i32
    %min3A_47 = arith.constant 50 : i32
    %min3A_48 = arith.minsi %max3A_46, %min3A_47 : i32
    %while3A_49 = arith.constant 0 : i32
    %while3A_50 = arith.constant 0 : i32
    %while3A_51 = arith.subi %min3A_48, %while3A_50 : i32
    %while3A_52 = arith.addi %while3A_50, %while3A_51 : i32
    %while3A_53 = arith.constant 1 : i32
    %while3A_54 = arith.divsi %while3A_51, %while3A_53 : i32
    %while3A_55 = arith.muli %while3A_54, %while3A_53 : i32
    %while3A_56 = arith.addi %while3A_50, %while3A_55 : i32
    %while3A_57 = arith.constant 1 : i32
    scf.for %while3A_64 = %while3A_50 to %while3A_56 step %while3A_57  : i32 {
      %dma_start3A = arith.constant 0 : i32
      %dma_start3A_65 = tpu.memref_slice %arg6[%while3A_64, %dma_start3A] : memref<50x128xi32, #tpu.memory_space<vmem>> -> memref<1x128xi32, #tpu.memory_space<vmem>>
      %dma_start3A_66 = tpu.memref_squeeze %dma_start3A_65 : memref<1x128xi32, #tpu.memory_space<vmem>> -> memref<128xi32, #tpu.memory_space<vmem>>
      %dma_start3A_67 = arith.constant 0 : i32
      %dma_start3A_68 = arith.constant 0 : i32
      %dma_start3A_69 = tpu.memref_slice %arg2[%dma_start3A_67, %dma_start3A_68] : memref<10240x128xf32, #tpu.memory_space<hbm>> -> memref<10240x128xf32, #tpu.memory_space<hbm>>
      tpu.enqueue_indirect_dma source(%dma_start3A_69 : memref<10240x128xf32, #tpu.memory_space<hbm>>) target(%arg8 : memref<128x128xf32, #tpu.memory_space<vmem>>) offsets(%dma_start3A_66 : memref<128xi32, #tpu.memory_space<vmem>>) semaphore(%arg11 : memref<!tpu.dma_semaphore, #tpu.memory_space<semaphore_mem>>)
      %dma_wait3A = arith.constant 0 : i32
      %dma_wait3A_70 = tpu.memref_slice %arg6[%while3A_64, %dma_wait3A] : memref<50x128xi32, #tpu.memory_space<vmem>> -> memref<1x128xi32, #tpu.memory_space<vmem>>
      %dma_wait3A_71 = tpu.memref_squeeze %dma_wait3A_70 : memref<1x128xi32, #tpu.memory_space<vmem>> -> memref<128xi32, #tpu.memory_space<vmem>>
      %dma_wait3A_72 = arith.constant 0 : i32
      %dma_wait3A_73 = arith.constant 0 : i32
      %dma_wait3A_74 = tpu.memref_slice %arg2[%dma_wait3A_72, %dma_wait3A_73] : memref<10240x128xf32, #tpu.memory_space<hbm>> -> memref<10240x128xf32, #tpu.memory_space<hbm>>
      tpu.wait_indirect_dma semaphore(%arg11 : memref<!tpu.dma_semaphore, #tpu.memory_space<semaphore_mem>>) src(%dma_wait3A_74 : memref<10240x128xf32, #tpu.memory_space<hbm>>) dst(%arg8 : memref<128x128xf32, #tpu.memory_space<vmem>>)
      "tpu.region"() ({
        %run_scoped3A = tpu.sem_alloc : memref<!tpu.dma_semaphore, #tpu.memory_space<semaphore_mem>>
        %dma_start3A_75 = arith.constant 0 : i32
        %dma_start3A_76 = tpu.memref_slice %arg7[%while3A_64, %dma_start3A_75] : memref<50x128xi32, #tpu.memory_space<vmem>> -> memref<1x128xi32, #tpu.memory_space<vmem>>
        %dma_start3A_77 = tpu.memref_squeeze %dma_start3A_76 : memref<1x128xi32, #tpu.memory_space<vmem>> -> memref<128xi32, #tpu.memory_space<vmem>>
        %dma_start3A_78 = arith.constant 0 : i32
        %dma_start3A_79 = arith.constant 0 : i32
        %dma_start3A_80 = tpu.memref_slice %arg10[%dma_start3A_78, %dma_start3A_79] : memref<10240x128xf32, #tpu.memory_space<vmem_shared>> -> memref<10240x128xf32, #tpu.memory_space<vmem_shared>>
        tpu.enqueue_indirect_dma source(%arg8 : memref<128x128xf32, #tpu.memory_space<vmem>>) target(%dma_start3A_80 : memref<10240x128xf32, #tpu.memory_space<vmem_shared>>) offsets(%dma_start3A_77 : memref<128xi32, #tpu.memory_space<vmem>>) semaphore(%run_scoped3A : memref<!tpu.dma_semaphore, #tpu.memory_space<semaphore_mem>>) {add = true}
        %dma_wait3A_81 = arith.constant 0 : i32
        %dma_wait3A_82 = tpu.memref_slice %arg7[%while3A_64, %dma_wait3A_81] : memref<50x128xi32, #tpu.memory_space<vmem>> -> memref<1x128xi32, #tpu.memory_space<vmem>>
        %dma_wait3A_83 = tpu.memref_squeeze %dma_wait3A_82 : memref<1x128xi32, #tpu.memory_space<vmem>> -> memref<128xi32, #tpu.memory_space<vmem>>
        %dma_wait3A_84 = arith.constant 0 : i32
        %dma_wait3A_85 = arith.constant 0 : i32
        %dma_wait3A_86 = tpu.memref_slice %arg10[%dma_wait3A_84, %dma_wait3A_85] : memref<10240x128xf32, #tpu.memory_space<vmem_shared>> -> memref<10240x128xf32, #tpu.memory_space<vmem_shared>>
        tpu.wait_indirect_dma semaphore(%run_scoped3A : memref<!tpu.dma_semaphore, #tpu.memory_space<semaphore_mem>>) src(%arg8 : memref<128x128xf32, #tpu.memory_space<vmem>>) dst(%dma_wait3A_86 : memref<10240x128xf32, #tpu.memory_space<vmem_shared>>)
        tpu.yield
      }) : () -> ()
    }
    %while3A_58 = arith.constant 1 : i32
    scf.for %while3A_64 = %while3A_56 to %while3A_52 step %while3A_58  : i32 {
      %dma_start3A = arith.constant 0 : i32
      %dma_start3A_65 = tpu.memref_slice %arg6[%while3A_64, %dma_start3A] : memref<50x128xi32, #tpu.memory_space<vmem>> -> memref<1x128xi32, #tpu.memory_space<vmem>>
      %dma_start3A_66 = tpu.memref_squeeze %dma_start3A_65 : memref<1x128xi32, #tpu.memory_space<vmem>> -> memref<128xi32, #tpu.memory_space<vmem>>
      %dma_start3A_67 = arith.constant 0 : i32
      %dma_start3A_68 = arith.constant 0 : i32
      %dma_start3A_69 = tpu.memref_slice %arg2[%dma_start3A_67, %dma_start3A_68] : memref<10240x128xf32, #tpu.memory_space<hbm>> -> memref<10240x128xf32, #tpu.memory_space<hbm>>
      tpu.enqueue_indirect_dma source(%dma_start3A_69 : memref<10240x128xf32, #tpu.memory_space<hbm>>) target(%arg8 : memref<128x128xf32, #tpu.memory_space<vmem>>) offsets(%dma_start3A_66 : memref<128xi32, #tpu.memory_space<vmem>>) semaphore(%arg11 : memref<!tpu.dma_semaphore, #tpu.memory_space<semaphore_mem>>)
      %dma_wait3A = arith.constant 0 : i32
      %dma_wait3A_70 = tpu.memref_slice %arg6[%while3A_64, %dma_wait3A] : memref<50x128xi32, #tpu.memory_space<vmem>> -> memref<1x128xi32, #tpu.memory_space<vmem>>
      %dma_wait3A_71 = tpu.memref_squeeze %dma_wait3A_70 : memref<1x128xi32, #tpu.memory_space<vmem>> -> memref<128xi32, #tpu.memory_space<vmem>>
      %dma_wait3A_72 = arith.constant 0 : i32
      %dma_wait3A_73 = arith.constant 0 : i32
      %dma_wait3A_74 = tpu.memref_slice %arg2[%dma_wait3A_72, %dma_wait3A_73] : memref<10240x128xf32, #tpu.memory_space<hbm>> -> memref<10240x128xf32, #tpu.memory_space<hbm>>
      tpu.wait_indirect_dma semaphore(%arg11 : memref<!tpu.dma_semaphore, #tpu.memory_space<semaphore_mem>>) src(%dma_wait3A_74 : memref<10240x128xf32, #tpu.memory_space<hbm>>) dst(%arg8 : memref<128x128xf32, #tpu.memory_space<vmem>>)
      "tpu.region"() ({
        %run_scoped3A = tpu.sem_alloc : memref<!tpu.dma_semaphore, #tpu.memory_space<semaphore_mem>>
        %dma_start3A_75 = arith.constant 0 : i32
        %dma_start3A_76 = tpu.memref_slice %arg7[%while3A_64, %dma_start3A_75] : memref<50x128xi32, #tpu.memory_space<vmem>> -> memref<1x128xi32, #tpu.memory_space<vmem>>
        %dma_start3A_77 = tpu.memref_squeeze %dma_start3A_76 : memref<1x128xi32, #tpu.memory_space<vmem>> -> memref<128xi32, #tpu.memory_space<vmem>>
        %dma_start3A_78 = arith.constant 0 : i32
        %dma_start3A_79 = arith.constant 0 : i32
        %dma_start3A_80 = tpu.memref_slice %arg10[%dma_start3A_78, %dma_start3A_79] : memref<10240x128xf32, #tpu.memory_space<vmem_shared>> -> memref<10240x128xf32, #tpu.memory_space<vmem_shared>>
        tpu.enqueue_indirect_dma source(%arg8 : memref<128x128xf32, #tpu.memory_space<vmem>>) target(%dma_start3A_80 : memref<10240x128xf32, #tpu.memory_space<vmem_shared>>) offsets(%dma_start3A_77 : memref<128xi32, #tpu.memory_space<vmem>>) semaphore(%run_scoped3A : memref<!tpu.dma_semaphore, #tpu.memory_space<semaphore_mem>>) {add = true}
        %dma_wait3A_81 = arith.constant 0 : i32
        %dma_wait3A_82 = tpu.memref_slice %arg7[%while3A_64, %dma_wait3A_81] : memref<50x128xi32, #tpu.memory_space<vmem>> -> memref<1x128xi32, #tpu.memory_space<vmem>>
        %dma_wait3A_83 = tpu.memref_squeeze %dma_wait3A_82 : memref<1x128xi32, #tpu.memory_space<vmem>> -> memref<128xi32, #tpu.memory_space<vmem>>
        %dma_wait3A_84 = arith.constant 0 : i32
        %dma_wait3A_85 = arith.constant 0 : i32
        %dma_wait3A_86 = tpu.memref_slice %arg10[%dma_wait3A_84, %dma_wait3A_85] : memref<10240x128xf32, #tpu.memory_space<vmem_shared>> -> memref<10240x128xf32, #tpu.memory_space<vmem_shared>>
        tpu.wait_indirect_dma semaphore(%run_scoped3A : memref<!tpu.dma_semaphore, #tpu.memory_space<semaphore_mem>>) src(%arg8 : memref<128x128xf32, #tpu.memory_space<vmem>>) dst(%dma_wait3A_86 : memref<10240x128xf32, #tpu.memory_space<vmem_shared>>)
        tpu.yield
      }) : () -> ()
    }
    %barrier3A_59 = arith.constant 0 : index
    tpu.barrier barrier_id(%barrier3A_59)
    %mul3A_60 = arith.constant 640 : i32
    %mul3A_61 = arith.muli %arg1, %mul3A_60 : i32
    %mul3A_62 = arith.constant 640 : i32
    %mul3A_63 = arith.muli %arg1, %mul3A_62 : i32
    "tpu.region"() ({
      %run_scoped3A = tpu.sem_alloc : memref<!tpu.dma_semaphore, #tpu.memory_space<semaphore_mem>>
      %dma_start3A = arith.constant 0 : i32
      %dma_start3A_64 = tpu.memref_slice %arg5[%arg0, %mul3A_63, %dma_start3A] : memref<2x10240x128xf32, #tpu.memory_space<hbm>> -> memref<1x640x128xf32, #tpu.memory_space<hbm>>
      %dma_start3A_65 = tpu.memref_squeeze %dma_start3A_64 : memref<1x640x128xf32, #tpu.memory_space<hbm>> -> memref<640x128xf32, #tpu.memory_space<hbm>>
      %dma_start3A_66 = arith.constant 0 : i32
      %dma_start3A_67 = tpu.memref_slice %arg10[%mul3A_61, %dma_start3A_66] : memref<10240x128xf32, #tpu.memory_space<vmem_shared>> -> memref<640x128xf32, #tpu.memory_space<vmem_shared>>
      tpu.enqueue_dma source(%dma_start3A_67 : memref<640x128xf32, #tpu.memory_space<vmem_shared>>) target(%dma_start3A_65 : memref<640x128xf32, #tpu.memory_space<hbm>>) target_semaphore(%run_scoped3A : memref<!tpu.dma_semaphore, #tpu.memory_space<semaphore_mem>>)
      %dma_wait3A = arith.constant 0 : i32
      %dma_wait3A_68 = tpu.memref_slice %arg5[%arg0, %mul3A_63, %dma_wait3A] : memref<2x10240x128xf32, #tpu.memory_space<hbm>> -> memref<1x640x128xf32, #tpu.memory_space<hbm>>
      %dma_wait3A_69 = tpu.memref_squeeze %dma_wait3A_68 : memref<1x640x128xf32, #tpu.memory_space<hbm>> -> memref<640x128xf32, #tpu.memory_space<hbm>>
      %dma_wait3A_70 = arith.constant 0 : i32
      %dma_wait3A_71 = tpu.memref_slice %arg10[%mul3A_61, %dma_wait3A_70] : memref<10240x128xf32, #tpu.memory_space<vmem_shared>> -> memref<640x128xf32, #tpu.memory_space<vmem_shared>>
      tpu.wait_dma2 semaphore(%run_scoped3A : memref<!tpu.dma_semaphore, #tpu.memory_space<semaphore_mem>>) src(%dma_wait3A_71 : memref<640x128xf32, #tpu.memory_space<vmem_shared>>) dst(%dma_wait3A_69 : memref<640x128xf32, #tpu.memory_space<hbm>>)
      tpu.yield
    }) : () -> ()
    return
  }
}

#map = affine_map<(d0, d1) -> (0, 0)>
#map1 = affine_map<(d0, d1) -> (0, 0, 0)>
module attributes {stable_mosaic.version = 14 : i64} {
  func.func @_agg_kernel(%arg0: i32, %arg1: i32, %arg2: memref<10240x128xf32, #tpu.memory_space<hbm>>, %arg3: memref<64x50x128xi32, #tpu.memory_space<hbm>>, %arg4: memref<64x50x128xi32, #tpu.memory_space<hbm>>, %arg5: memref<2x10240x128xf32, #tpu.memory_space<hbm>>, %arg6: memref<50x128xi32, #tpu.memory_space<vmem>>, %arg7: memref<50x128xi32, #tpu.memory_space<vmem>>, %arg8: memref<128x128xf32, #tpu.memory_space<vmem>>, %arg9: memref<64x128xf32, #tpu.memory_space<vmem>>, %arg10: memref<10240x128xf32, #tpu.memory_space<vmem_shared>>, %arg11: memref<!tpu.dma_semaphore, #tpu.memory_space<semaphore_mem>>) attributes {dimension_semantics = [#tpu.dimension_semantics<core_parallel>, #tpu.dimension_semantics<subcore_parallel>], iteration_bounds = array<i64: 2, 16>, scalar_prefetch = 0 : i64, scratch_operands = 6 : i64, tpu.core_type = #tpu.core_type<sc_vector_subcore>, window_params = [{transform_indices = #map}, {transform_indices = #map1}, {transform_indices = #map1}, {transform_indices = #map1}]} {
    %broadcast_in_dim3A = arith.constant 0.000000e+00 : f32
    %broadcast_in_dim3A_0 = vector.broadcast %broadcast_in_dim3A : f32 to vector<16xf32>
    %scan3A = arith.constant 0 : i32
    %scan3A_1 = arith.constant 0 : i32
    %scan3A_2 = arith.constant 512 : i32
    %scan3A_3 = arith.addi %scan3A_1, %scan3A_2 : i32
    %scan3A_4 = arith.constant 1 : i32
    scf.for %scan3A_64 = %scan3A_1 to %scan3A_3 step %scan3A_4  : i32 {
      %jit3A_65 = arith.constant 8 : i32
      %div3A = arith.divsi %scan3A_64, %jit3A_65 : i32
      %sign3A = arith.constant 0 : i32
      %sign3A_66 = arith.cmpi sgt, %scan3A_64, %sign3A : i32
      %sign3A_67 = arith.extui %sign3A_66 : i1 to i32
      %sign3A_68 = arith.constant 0 : i32
      %sign3A_69 = arith.cmpi slt, %scan3A_64, %sign3A_68 : i32
      %sign3A_70 = arith.extui %sign3A_69 : i1 to i32
      %sign3A_71 = arith.subi %sign3A_67, %sign3A_70 : i32
      %sign3A_72 = arith.constant 0 : i32
      %sign3A_73 = arith.cmpi sgt, %jit3A_65, %sign3A_72 : i32
      %sign3A_74 = arith.extui %sign3A_73 : i1 to i32
      %sign3A_75 = arith.constant 0 : i32
      %sign3A_76 = arith.cmpi slt, %jit3A_65, %sign3A_75 : i32
      %sign3A_77 = arith.extui %sign3A_76 : i1 to i32
      %sign3A_78 = arith.subi %sign3A_74, %sign3A_77 : i32
      %ne3A = arith.cmpi ne, %sign3A_71, %sign3A_78 : i32
      %rem3A = arith.remsi %scan3A_64, %jit3A_65 : i32
      %ne3A_79 = arith.constant 0 : i32
      %ne3A_80 = arith.cmpi ne, %rem3A, %ne3A_79 : i32
      %and3A = arith.andi %ne3A, %ne3A_80 : i1
      %sub3A_81 = arith.constant 1 : i32
      %sub3A_82 = arith.subi %div3A, %sub3A_81 : i32
      %select_n3A_83 = arith.select %and3A, %sub3A_82, %div3A : i32
      %jit3A_84 = arith.constant 8 : i32
      %eq3A_85 = arith.constant 0 : i32
      %eq3A_86 = arith.cmpi eq, %jit3A_84, %eq3A_85 : i32
      %jit3A_87 = arith.constant 1 : i32
      %select_n3A_88 = arith.select %eq3A_86, %jit3A_87, %jit3A_84 : i32
      %rem3A_89 = arith.remsi %scan3A_64, %select_n3A_88 : i32
      %ne3A_90 = arith.constant 0 : i32
      %ne3A_91 = arith.cmpi ne, %rem3A_89, %ne3A_90 : i32
      %lt3A = arith.constant 0 : i32
      %lt3A_92 = arith.cmpi slt, %rem3A_89, %lt3A : i32
      %lt3A_93 = arith.constant 0 : i32
      %lt3A_94 = arith.cmpi slt, %select_n3A_88, %lt3A_93 : i32
      %ne3A_95 = arith.xori %lt3A_92, %lt3A_94 : i1
      %and3A_96 = arith.andi %ne3A_95, %ne3A_91 : i1
      %add3A_97 = arith.addi %rem3A_89, %select_n3A_88 : i32
      %select_n3A_98 = arith.select %and3A_96, %add3A_97, %rem3A_89 : i32
      %mul3A_99 = arith.constant 16 : i32
      %mul3A_100 = arith.muli %select_n3A_98, %mul3A_99 : i32
      %swap3A = arith.index_cast %select_n3A_83 : i32 to index
      %swap3A_101 = arith.index_cast %mul3A_100 : i32 to index
      %swap3A_102 = tpu.vector_load %arg9[%swap3A, %swap3A_101] {strides = array<i32>} : memref<64x128xf32, #tpu.memory_space<vmem>>, vector<1x16xf32>,
      %swap3A_103 = vector.shape_cast %swap3A_102 : vector<1x16xf32> to vector<16xf32>
      %swap3A_104 = vector.shape_cast %broadcast_in_dim3A_0 : vector<16xf32> to vector<1x16xf32>
      tpu.vector_store %arg9[%swap3A, %swap3A_101], %swap3A_104 {strides = array<i32>} : memref<64x128xf32, #tpu.memory_space<vmem>>, vector<1x16xf32>,
    }
    %scan3A_5 = arith.constant 512 : i32
    %scan3A_6 = arith.constant 0 : i32
    %scan3A_7 = arith.constant 0 : i32
    %scan3A_8 = arith.constant 10 : i32
    %scan3A_9 = arith.addi %scan3A_7, %scan3A_8 : i32
    %scan3A_10 = arith.constant 1 : i32
    scf.for %scan3A_64 = %scan3A_7 to %scan3A_9 step %scan3A_10  : i32 {
      %mul3A_65 = arith.constant 640 : i32
      %mul3A_66 = arith.muli %arg1, %mul3A_65 : i32
      %mul3A_67 = arith.constant 64 : i32
      %mul3A_68 = arith.muli %scan3A_64, %mul3A_67 : i32
      %add3A_69 = arith.addi %mul3A_66, %mul3A_68 : i32
      "tpu.region"() ({
        %run_scoped3A = tpu.sem_alloc : memref<!tpu.dma_semaphore, #tpu.memory_space<semaphore_mem>>
        %dma_start3A = arith.constant 0 : i32
        %dma_start3A_70 = tpu.memref_slice %arg10[%add3A_69, %dma_start3A] : memref<10240x128xf32, #tpu.memory_space<vmem_shared>> -> memref<64x128xf32, #tpu.memory_space<vmem_shared>>
        %dma_start3A_71 = arith.constant 0 : i32
        %dma_start3A_72 = tpu.memref_slice %arg10[%add3A_69, %dma_start3A_71] : memref<10240x128xf32, #tpu.memory_space<vmem_shared>> -> memref<64x128xf32, #tpu.memory_space<vmem_shared>>
        tpu.enqueue_dma source(%arg9 : memref<64x128xf32, #tpu.memory_space<vmem>>) target(%dma_start3A_72 : memref<64x128xf32, #tpu.memory_space<vmem_shared>>) target_semaphore(%run_scoped3A : memref<!tpu.dma_semaphore, #tpu.memory_space<semaphore_mem>>)
        %dma_wait3A = arith.constant 0 : i32
        %dma_wait3A_73 = tpu.memref_slice %arg10[%add3A_69, %dma_wait3A] : memref<10240x128xf32, #tpu.memory_space<vmem_shared>> -> memref<64x128xf32, #tpu.memory_space<vmem_shared>>
        %dma_wait3A_74 = arith.constant 0 : i32
        %dma_wait3A_75 = tpu.memref_slice %arg10[%add3A_69, %dma_wait3A_74] : memref<10240x128xf32, #tpu.memory_space<vmem_shared>> -> memref<64x128xf32, #tpu.memory_space<vmem_shared>>
        tpu.wait_dma2 semaphore(%run_scoped3A : memref<!tpu.dma_semaphore, #tpu.memory_space<semaphore_mem>>) src(%arg9 : memref<64x128xf32, #tpu.memory_space<vmem>>) dst(%dma_wait3A_75 : memref<64x128xf32, #tpu.memory_space<vmem_shared>>)
        tpu.yield
      }) : () -> ()
    }
    %scan3A_11 = arith.constant 10 : i32
    %barrier3A = arith.constant 0 : index
    tpu.barrier barrier_id(%barrier3A)
    %mul3A = arith.constant 16 : i32
    %mul3A_12 = arith.muli %arg0, %mul3A : i32
    %add3A = arith.addi %mul3A_12, %arg1 : i32
    %eq3A = arith.constant 0 : i32
    %eq3A_13 = arith.cmpi eq, %arg0, %eq3A : i32
    %jit3A = arith.constant 99 : i32
    %jit3A_14 = arith.constant 59 : i32
    %select_n3A = arith.select %eq3A_13, %jit3A, %jit3A_14 : i32
    %mul3A_15 = arith.constant 2 : i32
    %mul3A_16 = arith.muli %add3A, %mul3A_15 : i32
    %add3A_17 = arith.constant 0 : i32
    %add3A_18 = arith.addi %mul3A_16, %add3A_17 : i32
    "tpu.region"() ({
      %run_scoped3A = tpu.sem_alloc : memref<!tpu.dma_semaphore, #tpu.memory_space<semaphore_mem>>
      %dma_start3A = arith.constant 0 : i32
      %dma_start3A_64 = arith.constant 0 : i32
      %dma_start3A_65 = tpu.memref_slice %arg3[%add3A_18, %dma_start3A, %dma_start3A_64] : memref<64x50x128xi32, #tpu.memory_space<hbm>> -> memref<1x50x128xi32, #tpu.memory_space<hbm>>
      %dma_start3A_66 = tpu.memref_squeeze %dma_start3A_65 : memref<1x50x128xi32, #tpu.memory_space<hbm>> -> memref<50x128xi32, #tpu.memory_space<hbm>>
      %dma_start3A_67 = arith.constant 0 : i32
      %dma_start3A_68 = arith.constant 0 : i32
      %dma_start3A_69 = tpu.memref_slice %arg3[%add3A_18, %dma_start3A_67, %dma_start3A_68] : memref<64x50x128xi32, #tpu.memory_space<hbm>> -> memref<1x50x128xi32, #tpu.memory_space<hbm>>
      %dma_start3A_70 = tpu.memref_squeeze %dma_start3A_69 : memref<1x50x128xi32, #tpu.memory_space<hbm>> -> memref<50x128xi32, #tpu.memory_space<hbm>>
      tpu.enqueue_dma source(%dma_start3A_70 : memref<50x128xi32, #tpu.memory_space<hbm>>) target(%arg6 : memref<50x128xi32, #tpu.memory_space<vmem>>) target_semaphore(%run_scoped3A : memref<!tpu.dma_semaphore, #tpu.memory_space<semaphore_mem>>)
      %dma_wait3A = arith.constant 0 : i32
      %dma_wait3A_71 = arith.constant 0 : i32
      %dma_wait3A_72 = tpu.memref_slice %arg3[%add3A_18, %dma_wait3A, %dma_wait3A_71] : memref<64x50x128xi32, #tpu.memory_space<hbm>> -> memref<1x50x128xi32, #tpu.memory_space<hbm>>
      %dma_wait3A_73 = tpu.memref_squeeze %dma_wait3A_72 : memref<1x50x128xi32, #tpu.memory_space<hbm>> -> memref<50x128xi32, #tpu.memory_space<hbm>>
      %dma_wait3A_74 = arith.constant 0 : i32
      %dma_wait3A_75 = arith.constant 0 : i32
      %dma_wait3A_76 = tpu.memref_slice %arg3[%add3A_18, %dma_wait3A_74, %dma_wait3A_75] : memref<64x50x128xi32, #tpu.memory_space<hbm>> -> memref<1x50x128xi32, #tpu.memory_space<hbm>>
      %dma_wait3A_77 = tpu.memref_squeeze %dma_wait3A_76 : memref<1x50x128xi32, #tpu.memory_space<hbm>> -> memref<50x128xi32, #tpu.memory_space<hbm>>
      tpu.wait_dma2 semaphore(%run_scoped3A : memref<!tpu.dma_semaphore, #tpu.memory_space<semaphore_mem>>) src(%dma_wait3A_77 : memref<50x128xi32, #tpu.memory_space<hbm>>) dst(%arg6 : memref<50x128xi32, #tpu.memory_space<vmem>>)
      tpu.yield
    }) : () -> ()
    %mul3A_19 = arith.constant 2 : i32
    %mul3A_20 = arith.muli %add3A, %mul3A_19 : i32
    %add3A_21 = arith.constant 0 : i32
    %add3A_22 = arith.addi %mul3A_20, %add3A_21 : i32
    "tpu.region"() ({
      %run_scoped3A = tpu.sem_alloc : memref<!tpu.dma_semaphore, #tpu.memory_space<semaphore_mem>>
      %dma_start3A = arith.constant 0 : i32
      %dma_start3A_64 = arith.constant 0 : i32
      %dma_start3A_65 = tpu.memref_slice %arg4[%add3A_22, %dma_start3A, %dma_start3A_64] : memref<64x50x128xi32, #tpu.memory_space<hbm>> -> memref<1x50x128xi32, #tpu.memory_space<hbm>>
      %dma_start3A_66 = tpu.memref_squeeze %dma_start3A_65 : memref<1x50x128xi32, #tpu.memory_space<hbm>> -> memref<50x128xi32, #tpu.memory_space<hbm>>
      %dma_start3A_67 = arith.constant 0 : i32
      %dma_start3A_68 = arith.constant 0 : i32
      %dma_start3A_69 = tpu.memref_slice %arg4[%add3A_22, %dma_start3A_67, %dma_start3A_68] : memref<64x50x128xi32, #tpu.memory_space<hbm>> -> memref<1x50x128xi32, #tpu.memory_space<hbm>>
      %dma_start3A_70 = tpu.memref_squeeze %dma_start3A_69 : memref<1x50x128xi32, #tpu.memory_space<hbm>> -> memref<50x128xi32, #tpu.memory_space<hbm>>
      tpu.enqueue_dma source(%dma_start3A_70 : memref<50x128xi32, #tpu.memory_space<hbm>>) target(%arg7 : memref<50x128xi32, #tpu.memory_space<vmem>>) target_semaphore(%run_scoped3A : memref<!tpu.dma_semaphore, #tpu.memory_space<semaphore_mem>>)
      %dma_wait3A = arith.constant 0 : i32
      %dma_wait3A_71 = arith.constant 0 : i32
      %dma_wait3A_72 = tpu.memref_slice %arg4[%add3A_22, %dma_wait3A, %dma_wait3A_71] : memref<64x50x128xi32, #tpu.memory_space<hbm>> -> memref<1x50x128xi32, #tpu.memory_space<hbm>>
      %dma_wait3A_73 = tpu.memref_squeeze %dma_wait3A_72 : memref<1x50x128xi32, #tpu.memory_space<hbm>> -> memref<50x128xi32, #tpu.memory_space<hbm>>
      %dma_wait3A_74 = arith.constant 0 : i32
      %dma_wait3A_75 = arith.constant 0 : i32
      %dma_wait3A_76 = tpu.memref_slice %arg4[%add3A_22, %dma_wait3A_74, %dma_wait3A_75] : memref<64x50x128xi32, #tpu.memory_space<hbm>> -> memref<1x50x128xi32, #tpu.memory_space<hbm>>
      %dma_wait3A_77 = tpu.memref_squeeze %dma_wait3A_76 : memref<1x50x128xi32, #tpu.memory_space<hbm>> -> memref<50x128xi32, #tpu.memory_space<hbm>>
      tpu.wait_dma2 semaphore(%run_scoped3A : memref<!tpu.dma_semaphore, #tpu.memory_space<semaphore_mem>>) src(%dma_wait3A_77 : memref<50x128xi32, #tpu.memory_space<hbm>>) dst(%arg7 : memref<50x128xi32, #tpu.memory_space<vmem>>)
      tpu.yield
    }) : () -> ()
    %sub3A = arith.constant 0 : i32
    %sub3A_23 = arith.subi %select_n3A, %sub3A : i32
    %max3A = arith.constant 0 : i32
    %max3A_24 = arith.maxsi %sub3A_23, %max3A : i32
    %min3A = arith.constant 50 : i32
    %min3A_25 = arith.minsi %max3A_24, %min3A : i32
    %while3A = arith.constant 0 : i32
    %while3A_26 = arith.constant 0 : i32
    %while3A_27 = arith.subi %min3A_25, %while3A_26 : i32
    %while3A_28 = arith.addi %while3A_26, %while3A_27 : i32
    %while3A_29 = arith.constant 1 : i32
    %while3A_30 = arith.divsi %while3A_27, %while3A_29 : i32
    %while3A_31 = arith.muli %while3A_30, %while3A_29 : i32
    %while3A_32 = arith.addi %while3A_26, %while3A_31 : i32
    %while3A_33 = arith.constant 1 : i32
    scf.for %while3A_64 = %while3A_26 to %while3A_32 step %while3A_33  : i32 {
      %dma_start3A = arith.constant 0 : i32
      %dma_start3A_65 = tpu.memref_slice %arg6[%while3A_64, %dma_start3A] : memref<50x128xi32, #tpu.memory_space<vmem>> -> memref<1x128xi32, #tpu.memory_space<vmem>>
      %dma_start3A_66 = tpu.memref_squeeze %dma_start3A_65 : memref<1x128xi32, #tpu.memory_space<vmem>> -> memref<128xi32, #tpu.memory_space<vmem>>
      %dma_start3A_67 = arith.constant 0 : i32
      %dma_start3A_68 = arith.constant 0 : i32
      %dma_start3A_69 = tpu.memref_slice %arg2[%dma_start3A_67, %dma_start3A_68] : memref<10240x128xf32, #tpu.memory_space<hbm>> -> memref<10240x128xf32, #tpu.memory_space<hbm>>
      tpu.enqueue_indirect_dma source(%dma_start3A_69 : memref<10240x128xf32, #tpu.memory_space<hbm>>) target(%arg8 : memref<128x128xf32, #tpu.memory_space<vmem>>) offsets(%dma_start3A_66 : memref<128xi32, #tpu.memory_space<vmem>>) semaphore(%arg11 : memref<!tpu.dma_semaphore, #tpu.memory_space<semaphore_mem>>)
      %dma_wait3A = arith.constant 0 : i32
      %dma_wait3A_70 = tpu.memref_slice %arg6[%while3A_64, %dma_wait3A] : memref<50x128xi32, #tpu.memory_space<vmem>> -> memref<1x128xi32, #tpu.memory_space<vmem>>
      %dma_wait3A_71 = tpu.memref_squeeze %dma_wait3A_70 : memref<1x128xi32, #tpu.memory_space<vmem>> -> memref<128xi32, #tpu.memory_space<vmem>>
      %dma_wait3A_72 = arith.constant 0 : i32
      %dma_wait3A_73 = arith.constant 0 : i32
      %dma_wait3A_74 = tpu.memref_slice %arg2[%dma_wait3A_72, %dma_wait3A_73] : memref<10240x128xf32, #tpu.memory_space<hbm>> -> memref<10240x128xf32, #tpu.memory_space<hbm>>
      tpu.wait_indirect_dma semaphore(%arg11 : memref<!tpu.dma_semaphore, #tpu.memory_space<semaphore_mem>>) src(%dma_wait3A_74 : memref<10240x128xf32, #tpu.memory_space<hbm>>) dst(%arg8 : memref<128x128xf32, #tpu.memory_space<vmem>>)
      "tpu.region"() ({
        %run_scoped3A = tpu.sem_alloc : memref<!tpu.dma_semaphore, #tpu.memory_space<semaphore_mem>>
        %dma_start3A_75 = arith.constant 0 : i32
        %dma_start3A_76 = tpu.memref_slice %arg7[%while3A_64, %dma_start3A_75] : memref<50x128xi32, #tpu.memory_space<vmem>> -> memref<1x128xi32, #tpu.memory_space<vmem>>
        %dma_start3A_77 = tpu.memref_squeeze %dma_start3A_76 : memref<1x128xi32, #tpu.memory_space<vmem>> -> memref<128xi32, #tpu.memory_space<vmem>>
        %dma_start3A_78 = arith.constant 0 : i32
        %dma_start3A_79 = arith.constant 0 : i32
        %dma_start3A_80 = tpu.memref_slice %arg10[%dma_start3A_78, %dma_start3A_79] : memref<10240x128xf32, #tpu.memory_space<vmem_shared>> -> memref<10240x128xf32, #tpu.memory_space<vmem_shared>>
        tpu.enqueue_indirect_dma source(%arg8 : memref<128x128xf32, #tpu.memory_space<vmem>>) target(%dma_start3A_80 : memref<10240x128xf32, #tpu.memory_space<vmem_shared>>) offsets(%dma_start3A_77 : memref<128xi32, #tpu.memory_space<vmem>>) semaphore(%run_scoped3A : memref<!tpu.dma_semaphore, #tpu.memory_space<semaphore_mem>>) {add = true}
        %dma_wait3A_81 = arith.constant 0 : i32
        %dma_wait3A_82 = tpu.memref_slice %arg7[%while3A_64, %dma_wait3A_81] : memref<50x128xi32, #tpu.memory_space<vmem>> -> memref<1x128xi32, #tpu.memory_space<vmem>>
        %dma_wait3A_83 = tpu.memref_squeeze %dma_wait3A_82 : memref<1x128xi32, #tpu.memory_space<vmem>> -> memref<128xi32, #tpu.memory_space<vmem>>
        %dma_wait3A_84 = arith.constant 0 : i32
        %dma_wait3A_85 = arith.constant 0 : i32
        %dma_wait3A_86 = tpu.memref_slice %arg10[%dma_wait3A_84, %dma_wait3A_85] : memref<10240x128xf32, #tpu.memory_space<vmem_shared>> -> memref<10240x128xf32, #tpu.memory_space<vmem_shared>>
        tpu.wait_indirect_dma semaphore(%run_scoped3A : memref<!tpu.dma_semaphore, #tpu.memory_space<semaphore_mem>>) src(%arg8 : memref<128x128xf32, #tpu.memory_space<vmem>>) dst(%dma_wait3A_86 : memref<10240x128xf32, #tpu.memory_space<vmem_shared>>)
        tpu.yield
      }) : () -> ()
    }
    %while3A_34 = arith.constant 1 : i32
    scf.for %while3A_64 = %while3A_32 to %while3A_28 step %while3A_34  : i32 {
      %dma_start3A = arith.constant 0 : i32
      %dma_start3A_65 = tpu.memref_slice %arg6[%while3A_64, %dma_start3A] : memref<50x128xi32, #tpu.memory_space<vmem>> -> memref<1x128xi32, #tpu.memory_space<vmem>>
      %dma_start3A_66 = tpu.memref_squeeze %dma_start3A_65 : memref<1x128xi32, #tpu.memory_space<vmem>> -> memref<128xi32, #tpu.memory_space<vmem>>
      %dma_start3A_67 = arith.constant 0 : i32
      %dma_start3A_68 = arith.constant 0 : i32
      %dma_start3A_69 = tpu.memref_slice %arg2[%dma_start3A_67, %dma_start3A_68] : memref<10240x128xf32, #tpu.memory_space<hbm>> -> memref<10240x128xf32, #tpu.memory_space<hbm>>
      tpu.enqueue_indirect_dma source(%dma_start3A_69 : memref<10240x128xf32, #tpu.memory_space<hbm>>) target(%arg8 : memref<128x128xf32, #tpu.memory_space<vmem>>) offsets(%dma_start3A_66 : memref<128xi32, #tpu.memory_space<vmem>>) semaphore(%arg11 : memref<!tpu.dma_semaphore, #tpu.memory_space<semaphore_mem>>)
      %dma_wait3A = arith.constant 0 : i32
      %dma_wait3A_70 = tpu.memref_slice %arg6[%while3A_64, %dma_wait3A] : memref<50x128xi32, #tpu.memory_space<vmem>> -> memref<1x128xi32, #tpu.memory_space<vmem>>
      %dma_wait3A_71 = tpu.memref_squeeze %dma_wait3A_70 : memref<1x128xi32, #tpu.memory_space<vmem>> -> memref<128xi32, #tpu.memory_space<vmem>>
      %dma_wait3A_72 = arith.constant 0 : i32
      %dma_wait3A_73 = arith.constant 0 : i32
      %dma_wait3A_74 = tpu.memref_slice %arg2[%dma_wait3A_72, %dma_wait3A_73] : memref<10240x128xf32, #tpu.memory_space<hbm>> -> memref<10240x128xf32, #tpu.memory_space<hbm>>
      tpu.wait_indirect_dma semaphore(%arg11 : memref<!tpu.dma_semaphore, #tpu.memory_space<semaphore_mem>>) src(%dma_wait3A_74 : memref<10240x128xf32, #tpu.memory_space<hbm>>) dst(%arg8 : memref<128x128xf32, #tpu.memory_space<vmem>>)
      "tpu.region"() ({
        %run_scoped3A = tpu.sem_alloc : memref<!tpu.dma_semaphore, #tpu.memory_space<semaphore_mem>>
        %dma_start3A_75 = arith.constant 0 : i32
        %dma_start3A_76 = tpu.memref_slice %arg7[%while3A_64, %dma_start3A_75] : memref<50x128xi32, #tpu.memory_space<vmem>> -> memref<1x128xi32, #tpu.memory_space<vmem>>
        %dma_start3A_77 = tpu.memref_squeeze %dma_start3A_76 : memref<1x128xi32, #tpu.memory_space<vmem>> -> memref<128xi32, #tpu.memory_space<vmem>>
        %dma_start3A_78 = arith.constant 0 : i32
        %dma_start3A_79 = arith.constant 0 : i32
        %dma_start3A_80 = tpu.memref_slice %arg10[%dma_start3A_78, %dma_start3A_79] : memref<10240x128xf32, #tpu.memory_space<vmem_shared>> -> memref<10240x128xf32, #tpu.memory_space<vmem_shared>>
        tpu.enqueue_indirect_dma source(%arg8 : memref<128x128xf32, #tpu.memory_space<vmem>>) target(%dma_start3A_80 : memref<10240x128xf32, #tpu.memory_space<vmem_shared>>) offsets(%dma_start3A_77 : memref<128xi32, #tpu.memory_space<vmem>>) semaphore(%run_scoped3A : memref<!tpu.dma_semaphore, #tpu.memory_space<semaphore_mem>>) {add = true}
        %dma_wait3A_81 = arith.constant 0 : i32
        %dma_wait3A_82 = tpu.memref_slice %arg7[%while3A_64, %dma_wait3A_81] : memref<50x128xi32, #tpu.memory_space<vmem>> -> memref<1x128xi32, #tpu.memory_space<vmem>>
        %dma_wait3A_83 = tpu.memref_squeeze %dma_wait3A_82 : memref<1x128xi32, #tpu.memory_space<vmem>> -> memref<128xi32, #tpu.memory_space<vmem>>
        %dma_wait3A_84 = arith.constant 0 : i32
        %dma_wait3A_85 = arith.constant 0 : i32
        %dma_wait3A_86 = tpu.memref_slice %arg10[%dma_wait3A_84, %dma_wait3A_85] : memref<10240x128xf32, #tpu.memory_space<vmem_shared>> -> memref<10240x128xf32, #tpu.memory_space<vmem_shared>>
        tpu.wait_indirect_dma semaphore(%run_scoped3A : memref<!tpu.dma_semaphore, #tpu.memory_space<semaphore_mem>>) src(%arg8 : memref<128x128xf32, #tpu.memory_space<vmem>>) dst(%dma_wait3A_86 : memref<10240x128xf32, #tpu.memory_space<vmem_shared>>)
        tpu.yield
      }) : () -> ()
    }
    %mul3A_35 = arith.constant 2 : i32
    %mul3A_36 = arith.muli %add3A, %mul3A_35 : i32
    %add3A_37 = arith.constant 1 : i32
    %add3A_38 = arith.addi %mul3A_36, %add3A_37 : i32
    "tpu.region"() ({
      %run_scoped3A = tpu.sem_alloc : memref<!tpu.dma_semaphore, #tpu.memory_space<semaphore_mem>>
      %dma_start3A = arith.constant 0 : i32
      %dma_start3A_64 = arith.constant 0 : i32
      %dma_start3A_65 = tpu.memref_slice %arg3[%add3A_38, %dma_start3A, %dma_start3A_64] : memref<64x50x128xi32, #tpu.memory_space<hbm>> -> memref<1x50x128xi32, #tpu.memory_space<hbm>>
      %dma_start3A_66 = tpu.memref_squeeze %dma_start3A_65 : memref<1x50x128xi32, #tpu.memory_space<hbm>> -> memref<50x128xi32, #tpu.memory_space<hbm>>
      %dma_start3A_67 = arith.constant 0 : i32
      %dma_start3A_68 = arith.constant 0 : i32
      %dma_start3A_69 = tpu.memref_slice %arg3[%add3A_38, %dma_start3A_67, %dma_start3A_68] : memref<64x50x128xi32, #tpu.memory_space<hbm>> -> memref<1x50x128xi32, #tpu.memory_space<hbm>>
      %dma_start3A_70 = tpu.memref_squeeze %dma_start3A_69 : memref<1x50x128xi32, #tpu.memory_space<hbm>> -> memref<50x128xi32, #tpu.memory_space<hbm>>
      tpu.enqueue_dma source(%dma_start3A_70 : memref<50x128xi32, #tpu.memory_space<hbm>>) target(%arg6 : memref<50x128xi32, #tpu.memory_space<vmem>>) target_semaphore(%run_scoped3A : memref<!tpu.dma_semaphore, #tpu.memory_space<semaphore_mem>>)
      %dma_wait3A = arith.constant 0 : i32
      %dma_wait3A_71 = arith.constant 0 : i32
      %dma_wait3A_72 = tpu.memref_slice %arg3[%add3A_38, %dma_wait3A, %dma_wait3A_71] : memref<64x50x128xi32, #tpu.memory_space<hbm>> -> memref<1x50x128xi32, #tpu.memory_space<hbm>>
      %dma_wait3A_73 = tpu.memref_squeeze %dma_wait3A_72 : memref<1x50x128xi32, #tpu.memory_space<hbm>> -> memref<50x128xi32, #tpu.memory_space<hbm>>
      %dma_wait3A_74 = arith.constant 0 : i32
      %dma_wait3A_75 = arith.constant 0 : i32
      %dma_wait3A_76 = tpu.memref_slice %arg3[%add3A_38, %dma_wait3A_74, %dma_wait3A_75] : memref<64x50x128xi32, #tpu.memory_space<hbm>> -> memref<1x50x128xi32, #tpu.memory_space<hbm>>
      %dma_wait3A_77 = tpu.memref_squeeze %dma_wait3A_76 : memref<1x50x128xi32, #tpu.memory_space<hbm>> -> memref<50x128xi32, #tpu.memory_space<hbm>>
      tpu.wait_dma2 semaphore(%run_scoped3A : memref<!tpu.dma_semaphore, #tpu.memory_space<semaphore_mem>>) src(%dma_wait3A_77 : memref<50x128xi32, #tpu.memory_space<hbm>>) dst(%arg6 : memref<50x128xi32, #tpu.memory_space<vmem>>)
      tpu.yield
    }) : () -> ()
    %mul3A_39 = arith.constant 2 : i32
    %mul3A_40 = arith.muli %add3A, %mul3A_39 : i32
    %add3A_41 = arith.constant 1 : i32
    %add3A_42 = arith.addi %mul3A_40, %add3A_41 : i32
    "tpu.region"() ({
      %run_scoped3A = tpu.sem_alloc : memref<!tpu.dma_semaphore, #tpu.memory_space<semaphore_mem>>
      %dma_start3A = arith.constant 0 : i32
      %dma_start3A_64 = arith.constant 0 : i32
      %dma_start3A_65 = tpu.memref_slice %arg4[%add3A_42, %dma_start3A, %dma_start3A_64] : memref<64x50x128xi32, #tpu.memory_space<hbm>> -> memref<1x50x128xi32, #tpu.memory_space<hbm>>
      %dma_start3A_66 = tpu.memref_squeeze %dma_start3A_65 : memref<1x50x128xi32, #tpu.memory_space<hbm>> -> memref<50x128xi32, #tpu.memory_space<hbm>>
      %dma_start3A_67 = arith.constant 0 : i32
      %dma_start3A_68 = arith.constant 0 : i32
      %dma_start3A_69 = tpu.memref_slice %arg4[%add3A_42, %dma_start3A_67, %dma_start3A_68] : memref<64x50x128xi32, #tpu.memory_space<hbm>> -> memref<1x50x128xi32, #tpu.memory_space<hbm>>
      %dma_start3A_70 = tpu.memref_squeeze %dma_start3A_69 : memref<1x50x128xi32, #tpu.memory_space<hbm>> -> memref<50x128xi32, #tpu.memory_space<hbm>>
      tpu.enqueue_dma source(%dma_start3A_70 : memref<50x128xi32, #tpu.memory_space<hbm>>) target(%arg7 : memref<50x128xi32, #tpu.memory_space<vmem>>) target_semaphore(%run_scoped3A : memref<!tpu.dma_semaphore, #tpu.memory_space<semaphore_mem>>)
      %dma_wait3A = arith.constant 0 : i32
      %dma_wait3A_71 = arith.constant 0 : i32
      %dma_wait3A_72 = tpu.memref_slice %arg4[%add3A_42, %dma_wait3A, %dma_wait3A_71] : memref<64x50x128xi32, #tpu.memory_space<hbm>> -> memref<1x50x128xi32, #tpu.memory_space<hbm>>
      %dma_wait3A_73 = tpu.memref_squeeze %dma_wait3A_72 : memref<1x50x128xi32, #tpu.memory_space<hbm>> -> memref<50x128xi32, #tpu.memory_space<hbm>>
      %dma_wait3A_74 = arith.constant 0 : i32
      %dma_wait3A_75 = arith.constant 0 : i32
      %dma_wait3A_76 = tpu.memref_slice %arg4[%add3A_42, %dma_wait3A_74, %dma_wait3A_75] : memref<64x50x128xi32, #tpu.memory_space<hbm>> -> memref<1x50x128xi32, #tpu.memory_space<hbm>>
      %dma_wait3A_77 = tpu.memref_squeeze %dma_wait3A_76 : memref<1x50x128xi32, #tpu.memory_space<hbm>> -> memref<50x128xi32, #tpu.memory_space<hbm>>
      tpu.wait_dma2 semaphore(%run_scoped3A : memref<!tpu.dma_semaphore, #tpu.memory_space<semaphore_mem>>) src(%dma_wait3A_77 : memref<50x128xi32, #tpu.memory_space<hbm>>) dst(%arg7 : memref<50x128xi32, #tpu.memory_space<vmem>>)
      tpu.yield
    }) : () -> ()
    %sub3A_43 = arith.constant 50 : i32
    %sub3A_44 = arith.subi %select_n3A, %sub3A_43 : i32
    %max3A_45 = arith.constant 0 : i32
    %max3A_46 = arith.maxsi %sub3A_44, %max3A_45 : i32
    %min3A_47 = arith.constant 50 : i32
    %min3A_48 = arith.minsi %max3A_46, %min3A_47 : i32
    %while3A_49 = arith.constant 0 : i32
    %while3A_50 = arith.constant 0 : i32
    %while3A_51 = arith.subi %min3A_48, %while3A_50 : i32
    %while3A_52 = arith.addi %while3A_50, %while3A_51 : i32
    %while3A_53 = arith.constant 1 : i32
    %while3A_54 = arith.divsi %while3A_51, %while3A_53 : i32
    %while3A_55 = arith.muli %while3A_54, %while3A_53 : i32
    %while3A_56 = arith.addi %while3A_50, %while3A_55 : i32
    %while3A_57 = arith.constant 1 : i32
    scf.for %while3A_64 = %while3A_50 to %while3A_56 step %while3A_57  : i32 {
      %dma_start3A = arith.constant 0 : i32
      %dma_start3A_65 = tpu.memref_slice %arg6[%while3A_64, %dma_start3A] : memref<50x128xi32, #tpu.memory_space<vmem>> -> memref<1x128xi32, #tpu.memory_space<vmem>>
      %dma_start3A_66 = tpu.memref_squeeze %dma_start3A_65 : memref<1x128xi32, #tpu.memory_space<vmem>> -> memref<128xi32, #tpu.memory_space<vmem>>
      %dma_start3A_67 = arith.constant 0 : i32
      %dma_start3A_68 = arith.constant 0 : i32
      %dma_start3A_69 = tpu.memref_slice %arg2[%dma_start3A_67, %dma_start3A_68] : memref<10240x128xf32, #tpu.memory_space<hbm>> -> memref<10240x128xf32, #tpu.memory_space<hbm>>
      tpu.enqueue_indirect_dma source(%dma_start3A_69 : memref<10240x128xf32, #tpu.memory_space<hbm>>) target(%arg8 : memref<128x128xf32, #tpu.memory_space<vmem>>) offsets(%dma_start3A_66 : memref<128xi32, #tpu.memory_space<vmem>>) semaphore(%arg11 : memref<!tpu.dma_semaphore, #tpu.memory_space<semaphore_mem>>)
      %dma_wait3A = arith.constant 0 : i32
      %dma_wait3A_70 = tpu.memref_slice %arg6[%while3A_64, %dma_wait3A] : memref<50x128xi32, #tpu.memory_space<vmem>> -> memref<1x128xi32, #tpu.memory_space<vmem>>
      %dma_wait3A_71 = tpu.memref_squeeze %dma_wait3A_70 : memref<1x128xi32, #tpu.memory_space<vmem>> -> memref<128xi32, #tpu.memory_space<vmem>>
      %dma_wait3A_72 = arith.constant 0 : i32
      %dma_wait3A_73 = arith.constant 0 : i32
      %dma_wait3A_74 = tpu.memref_slice %arg2[%dma_wait3A_72, %dma_wait3A_73] : memref<10240x128xf32, #tpu.memory_space<hbm>> -> memref<10240x128xf32, #tpu.memory_space<hbm>>
      tpu.wait_indirect_dma semaphore(%arg11 : memref<!tpu.dma_semaphore, #tpu.memory_space<semaphore_mem>>) src(%dma_wait3A_74 : memref<10240x128xf32, #tpu.memory_space<hbm>>) dst(%arg8 : memref<128x128xf32, #tpu.memory_space<vmem>>)
      "tpu.region"() ({
        %run_scoped3A = tpu.sem_alloc : memref<!tpu.dma_semaphore, #tpu.memory_space<semaphore_mem>>
        %dma_start3A_75 = arith.constant 0 : i32
        %dma_start3A_76 = tpu.memref_slice %arg7[%while3A_64, %dma_start3A_75] : memref<50x128xi32, #tpu.memory_space<vmem>> -> memref<1x128xi32, #tpu.memory_space<vmem>>
        %dma_start3A_77 = tpu.memref_squeeze %dma_start3A_76 : memref<1x128xi32, #tpu.memory_space<vmem>> -> memref<128xi32, #tpu.memory_space<vmem>>
        %dma_start3A_78 = arith.constant 0 : i32
        %dma_start3A_79 = arith.constant 0 : i32
        %dma_start3A_80 = tpu.memref_slice %arg10[%dma_start3A_78, %dma_start3A_79] : memref<10240x128xf32, #tpu.memory_space<vmem_shared>> -> memref<10240x128xf32, #tpu.memory_space<vmem_shared>>
        tpu.enqueue_indirect_dma source(%arg8 : memref<128x128xf32, #tpu.memory_space<vmem>>) target(%dma_start3A_80 : memref<10240x128xf32, #tpu.memory_space<vmem_shared>>) offsets(%dma_start3A_77 : memref<128xi32, #tpu.memory_space<vmem>>) semaphore(%run_scoped3A : memref<!tpu.dma_semaphore, #tpu.memory_space<semaphore_mem>>) {add = true}
        %dma_wait3A_81 = arith.constant 0 : i32
        %dma_wait3A_82 = tpu.memref_slice %arg7[%while3A_64, %dma_wait3A_81] : memref<50x128xi32, #tpu.memory_space<vmem>> -> memref<1x128xi32, #tpu.memory_space<vmem>>
        %dma_wait3A_83 = tpu.memref_squeeze %dma_wait3A_82 : memref<1x128xi32, #tpu.memory_space<vmem>> -> memref<128xi32, #tpu.memory_space<vmem>>
        %dma_wait3A_84 = arith.constant 0 : i32
        %dma_wait3A_85 = arith.constant 0 : i32
        %dma_wait3A_86 = tpu.memref_slice %arg10[%dma_wait3A_84, %dma_wait3A_85] : memref<10240x128xf32, #tpu.memory_space<vmem_shared>> -> memref<10240x128xf32, #tpu.memory_space<vmem_shared>>
        tpu.wait_indirect_dma semaphore(%run_scoped3A : memref<!tpu.dma_semaphore, #tpu.memory_space<semaphore_mem>>) src(%arg8 : memref<128x128xf32, #tpu.memory_space<vmem>>) dst(%dma_wait3A_86 : memref<10240x128xf32, #tpu.memory_space<vmem_shared>>)
        tpu.yield
      }) : () -> ()
    }
    %while3A_58 = arith.constant 1 : i32
    scf.for %while3A_64 = %while3A_56 to %while3A_52 step %while3A_58  : i32 {
      %dma_start3A = arith.constant 0 : i32
      %dma_start3A_65 = tpu.memref_slice %arg6[%while3A_64, %dma_start3A] : memref<50x128xi32, #tpu.memory_space<vmem>> -> memref<1x128xi32, #tpu.memory_space<vmem>>
      %dma_start3A_66 = tpu.memref_squeeze %dma_start3A_65 : memref<1x128xi32, #tpu.memory_space<vmem>> -> memref<128xi32, #tpu.memory_space<vmem>>
      %dma_start3A_67 = arith.constant 0 : i32
      %dma_start3A_68 = arith.constant 0 : i32
      %dma_start3A_69 = tpu.memref_slice %arg2[%dma_start3A_67, %dma_start3A_68] : memref<10240x128xf32, #tpu.memory_space<hbm>> -> memref<10240x128xf32, #tpu.memory_space<hbm>>
      tpu.enqueue_indirect_dma source(%dma_start3A_69 : memref<10240x128xf32, #tpu.memory_space<hbm>>) target(%arg8 : memref<128x128xf32, #tpu.memory_space<vmem>>) offsets(%dma_start3A_66 : memref<128xi32, #tpu.memory_space<vmem>>) semaphore(%arg11 : memref<!tpu.dma_semaphore, #tpu.memory_space<semaphore_mem>>)
      %dma_wait3A = arith.constant 0 : i32
      %dma_wait3A_70 = tpu.memref_slice %arg6[%while3A_64, %dma_wait3A] : memref<50x128xi32, #tpu.memory_space<vmem>> -> memref<1x128xi32, #tpu.memory_space<vmem>>
      %dma_wait3A_71 = tpu.memref_squeeze %dma_wait3A_70 : memref<1x128xi32, #tpu.memory_space<vmem>> -> memref<128xi32, #tpu.memory_space<vmem>>
      %dma_wait3A_72 = arith.constant 0 : i32
      %dma_wait3A_73 = arith.constant 0 : i32
      %dma_wait3A_74 = tpu.memref_slice %arg2[%dma_wait3A_72, %dma_wait3A_73] : memref<10240x128xf32, #tpu.memory_space<hbm>> -> memref<10240x128xf32, #tpu.memory_space<hbm>>
      tpu.wait_indirect_dma semaphore(%arg11 : memref<!tpu.dma_semaphore, #tpu.memory_space<semaphore_mem>>) src(%dma_wait3A_74 : memref<10240x128xf32, #tpu.memory_space<hbm>>) dst(%arg8 : memref<128x128xf32, #tpu.memory_space<vmem>>)
      "tpu.region"() ({
        %run_scoped3A = tpu.sem_alloc : memref<!tpu.dma_semaphore, #tpu.memory_space<semaphore_mem>>
        %dma_start3A_75 = arith.constant 0 : i32
        %dma_start3A_76 = tpu.memref_slice %arg7[%while3A_64, %dma_start3A_75] : memref<50x128xi32, #tpu.memory_space<vmem>> -> memref<1x128xi32, #tpu.memory_space<vmem>>
        %dma_start3A_77 = tpu.memref_squeeze %dma_start3A_76 : memref<1x128xi32, #tpu.memory_space<vmem>> -> memref<128xi32, #tpu.memory_space<vmem>>
        %dma_start3A_78 = arith.constant 0 : i32
        %dma_start3A_79 = arith.constant 0 : i32
        %dma_start3A_80 = tpu.memref_slice %arg10[%dma_start3A_78, %dma_start3A_79] : memref<10240x128xf32, #tpu.memory_space<vmem_shared>> -> memref<10240x128xf32, #tpu.memory_space<vmem_shared>>
        tpu.enqueue_indirect_dma source(%arg8 : memref<128x128xf32, #tpu.memory_space<vmem>>) target(%dma_start3A_80 : memref<10240x128xf32, #tpu.memory_space<vmem_shared>>) offsets(%dma_start3A_77 : memref<128xi32, #tpu.memory_space<vmem>>) semaphore(%run_scoped3A : memref<!tpu.dma_semaphore, #tpu.memory_space<semaphore_mem>>) {add = true}
        %dma_wait3A_81 = arith.constant 0 : i32
        %dma_wait3A_82 = tpu.memref_slice %arg7[%while3A_64, %dma_wait3A_81] : memref<50x128xi32, #tpu.memory_space<vmem>> -> memref<1x128xi32, #tpu.memory_space<vmem>>
        %dma_wait3A_83 = tpu.memref_squeeze %dma_wait3A_82 : memref<1x128xi32, #tpu.memory_space<vmem>> -> memref<128xi32, #tpu.memory_space<vmem>>
        %dma_wait3A_84 = arith.constant 0 : i32
        %dma_wait3A_85 = arith.constant 0 : i32
        %dma_wait3A_86 = tpu.memref_slice %arg10[%dma_wait3A_84, %dma_wait3A_85] : memref<10240x128xf32, #tpu.memory_space<vmem_shared>> -> memref<10240x128xf32, #tpu.memory_space<vmem_shared>>
        tpu.wait_indirect_dma semaphore(%run_scoped3A : memref<!tpu.dma_semaphore, #tpu.memory_space<semaphore_mem>>) src(%arg8 : memref<128x128xf32, #tpu.memory_space<vmem>>) dst(%dma_wait3A_86 : memref<10240x128xf32, #tpu.memory_space<vmem_shared>>)
        tpu.yield
      }) : () -> ()
    }
    %barrier3A_59 = arith.constant 0 : index
    tpu.barrier barrier_id(%barrier3A_59)
    %mul3A_60 = arith.constant 640 : i32
    %mul3A_61 = arith.muli %arg1, %mul3A_60 : i32
    %mul3A_62 = arith.constant 640 : i32
    %mul3A_63 = arith.muli %arg1, %mul3A_62 : i32
    "tpu.region"() ({
      %run_scoped3A = tpu.sem_alloc : memref<!tpu.dma_semaphore, #tpu.memory_space<semaphore_mem>>
      %dma_start3A = arith.constant 0 : i32
      %dma_start3A_64 = tpu.memref_slice %arg5[%arg0, %mul3A_63, %dma_start3A] : memref<2x10240x128xf32, #tpu.memory_space<hbm>> -> memref<1x640x128xf32, #tpu.memory_space<hbm>>
      %dma_start3A_65 = tpu.memref_squeeze %dma_start3A_64 : memref<1x640x128xf32, #tpu.memory_space<hbm>> -> memref<640x128xf32, #tpu.memory_space<hbm>>
      %dma_start3A_66 = arith.constant 0 : i32
      %dma_start3A_67 = tpu.memref_slice %arg10[%mul3A_61, %dma_start3A_66] : memref<10240x128xf32, #tpu.memory_space<vmem_shared>> -> memref<640x128xf32, #tpu.memory_space<vmem_shared>>
      tpu.enqueue_dma source(%dma_start3A_67 : memref<640x128xf32, #tpu.memory_space<vmem_shared>>) target(%dma_start3A_65 : memref<640x128xf32, #tpu.memory_space<hbm>>) target_semaphore(%run_scoped3A : memref<!tpu.dma_semaphore, #tpu.memory_space<semaphore_mem>>)
      %dma_wait3A = arith.constant 0 : i32
      %dma_wait3A_68 = tpu.memref_slice %arg5[%arg0, %mul3A_63, %dma_wait3A] : memref<2x10240x128xf32, #tpu.memory_space<hbm>> -> memref<1x640x128xf32, #tpu.memory_space<hbm>>
      %dma_wait3A_69 = tpu.memref_squeeze %dma_wait3A_68 : memref<1x640x128xf32, #tpu.memory_space<hbm>> -> memref<640x128xf32, #tpu.memory_space<hbm>>
      %dma_wait3A_70 = arith.constant 0 : i32
      %dma_wait3A_71 = tpu.memref_slice %arg10[%mul3A_61, %dma_wait3A_70] : memref<10240x128xf32, #tpu.memory_space<vmem_shared>> -> memref<640x128xf32, #tpu.memory_space<vmem_shared>>
      tpu.wait_dma2 semaphore(%run_scoped3A : memref<!tpu.dma_semaphore, #tpu.memory_space<semaphore_mem>>) src(%dma_wait3A_71 : memref<640x128xf32, #tpu.memory_space<vmem_shared>>) dst(%dma_wait3A_69 : memref<640x128xf32, #tpu.memory_space<hbm>>)
      tpu.yield
    }) : () -> ()
    return
  }
}

#map = affine_map<(d0, d1) -> (0, 0, 0)>
#map1 = affine_map<(d0, d1) -> (0, 0)>
module attributes {stable_mosaic.version = 14 : i64} {
  func.func @_hist_kernel(%arg0: i32, %arg1: i32, %arg2: memref<32x79x128xi32, #tpu.memory_space<hbm>>, %arg3: memref<32x10240xf32, #tpu.memory_space<hbm>>, %arg4: memref<79x128xi32, #tpu.memory_space<vmem>>, %arg5: memref<10240xf32, #tpu.memory_space<vmem>>) attributes {dimension_semantics = [#tpu.dimension_semantics<core_parallel>, #tpu.dimension_semantics<subcore_parallel>], iteration_bounds = array<i64: 2, 16>, scalar_prefetch = 0 : i64, scratch_operands = 2 : i64, tpu.core_type = #tpu.core_type<sc_vector_subcore>, window_params = [{transform_indices = #map}, {transform_indices = #map1}]} {
    %mul3A = arith.constant 16 : i32
    %mul3A_0 = arith.muli %arg0, %mul3A : i32
    %add3A = arith.addi %mul3A_0, %arg1 : i32
    "tpu.region"() ({
      %run_scoped3A = tpu.sem_alloc : memref<!tpu.dma_semaphore, #tpu.memory_space<semaphore_mem>>
      %dma_start3A = arith.constant 0 : i32
      %dma_start3A_15 = arith.constant 0 : i32
      %dma_start3A_16 = tpu.memref_slice %arg2[%add3A, %dma_start3A, %dma_start3A_15] : memref<32x79x128xi32, #tpu.memory_space<hbm>> -> memref<1x79x128xi32, #tpu.memory_space<hbm>>
      %dma_start3A_17 = tpu.memref_squeeze %dma_start3A_16 : memref<1x79x128xi32, #tpu.memory_space<hbm>> -> memref<79x128xi32, #tpu.memory_space<hbm>>
      %dma_start3A_18 = arith.constant 0 : i32
      %dma_start3A_19 = arith.constant 0 : i32
      %dma_start3A_20 = tpu.memref_slice %arg2[%add3A, %dma_start3A_18, %dma_start3A_19] : memref<32x79x128xi32, #tpu.memory_space<hbm>> -> memref<1x79x128xi32, #tpu.memory_space<hbm>>
      %dma_start3A_21 = tpu.memref_squeeze %dma_start3A_20 : memref<1x79x128xi32, #tpu.memory_space<hbm>> -> memref<79x128xi32, #tpu.memory_space<hbm>>
      tpu.enqueue_dma source(%dma_start3A_21 : memref<79x128xi32, #tpu.memory_space<hbm>>) target(%arg4 : memref<79x128xi32, #tpu.memory_space<vmem>>) target_semaphore(%run_scoped3A : memref<!tpu.dma_semaphore, #tpu.memory_space<semaphore_mem>>)
      %dma_wait3A = arith.constant 0 : i32
      %dma_wait3A_22 = arith.constant 0 : i32
      %dma_wait3A_23 = tpu.memref_slice %arg2[%add3A, %dma_wait3A, %dma_wait3A_22] : memref<32x79x128xi32, #tpu.memory_space<hbm>> -> memref<1x79x128xi32, #tpu.memory_space<hbm>>
      %dma_wait3A_24 = tpu.memref_squeeze %dma_wait3A_23 : memref<1x79x128xi32, #tpu.memory_space<hbm>> -> memref<79x128xi32, #tpu.memory_space<hbm>>
      %dma_wait3A_25 = arith.constant 0 : i32
      %dma_wait3A_26 = arith.constant 0 : i32
      %dma_wait3A_27 = tpu.memref_slice %arg2[%add3A, %dma_wait3A_25, %dma_wait3A_26] : memref<32x79x128xi32, #tpu.memory_space<hbm>> -> memref<1x79x128xi32, #tpu.memory_space<hbm>>
      %dma_wait3A_28 = tpu.memref_squeeze %dma_wait3A_27 : memref<1x79x128xi32, #tpu.memory_space<hbm>> -> memref<79x128xi32, #tpu.memory_space<hbm>>
      tpu.wait_dma2 semaphore(%run_scoped3A : memref<!tpu.dma_semaphore, #tpu.memory_space<semaphore_mem>>) src(%dma_wait3A_28 : memref<79x128xi32, #tpu.memory_space<hbm>>) dst(%arg4 : memref<79x128xi32, #tpu.memory_space<vmem>>)
      tpu.yield
    }) : () -> ()
    %broadcast_in_dim3A = arith.constant 0.000000e+00 : f32
    %broadcast_in_dim3A_1 = vector.broadcast %broadcast_in_dim3A : f32 to vector<16xf32>
    %scan3A = arith.constant 0 : i32
    %scan3A_2 = arith.constant 0 : i32
    %scan3A_3 = arith.constant 640 : i32
    %scan3A_4 = arith.addi %scan3A_2, %scan3A_3 : i32
    %scan3A_5 = arith.constant 1 : i32
    scf.for %scan3A_15 = %scan3A_2 to %scan3A_4 step %scan3A_5  : i32 {
      %mul3A_16 = arith.constant 16 : i32
      %mul3A_17 = arith.muli %scan3A_15, %mul3A_16 : i32
      %swap3A = arith.index_cast %mul3A_17 : i32 to index
      %swap3A_18 = tpu.vector_load %arg5[%swap3A] {strides = array<i32>} : memref<10240xf32, #tpu.memory_space<vmem>>, vector<16xf32>,
      tpu.vector_store %arg5[%swap3A], %broadcast_in_dim3A_1 {strides = array<i32>} : memref<10240xf32, #tpu.memory_space<vmem>>, vector<16xf32>,
    }
    %scan3A_6 = arith.constant 640 : i32
    %broadcast_in_dim3A_7 = arith.constant 1.000000e+00 : f32
    %broadcast_in_dim3A_8 = vector.broadcast %broadcast_in_dim3A_7 : f32 to vector<16xf32>
    %scan3A_9 = arith.constant 0 : i32
    %scan3A_10 = arith.constant 0 : i32
    %scan3A_11 = arith.constant 79 : i32
    %scan3A_12 = arith.addi %scan3A_10, %scan3A_11 : i32
    %scan3A_13 = arith.constant 1 : i32
    scf.for %scan3A_15 = %scan3A_10 to %scan3A_12 step %scan3A_13  : i32 {
      %get3A = arith.index_cast %scan3A_15 : i32 to index
      %get3A_16 = arith.constant 0 : index
      %get3A_17 = tpu.vector_load %arg4[%get3A, %get3A_16] {strides = array<i32>} : memref<79x128xi32, #tpu.memory_space<vmem>>, vector<16xi32>,
      tpu.vector_store_idx %arg5[%get3A_17], %broadcast_in_dim3A_8 {add = true} : memref<10240xf32, #tpu.memory_space<vmem>>[vector<16xi32>], vector<16xf32>,
      %get3A_18 = arith.index_cast %scan3A_15 : i32 to index
      %get3A_19 = arith.constant 16 : index
      %get3A_20 = tpu.vector_load %arg4[%get3A_18, %get3A_19] {strides = array<i32>} : memref<79x128xi32, #tpu.memory_space<vmem>>, vector<16xi32>,
      tpu.vector_store_idx %arg5[%get3A_20], %broadcast_in_dim3A_8 {add = true} : memref<10240xf32, #tpu.memory_space<vmem>>[vector<16xi32>], vector<16xf32>,
      %get3A_21 = arith.index_cast %scan3A_15 : i32 to index
      %get3A_22 = arith.constant 32 : index
      %get3A_23 = tpu.vector_load %arg4[%get3A_21, %get3A_22] {strides = array<i32>} : memref<79x128xi32, #tpu.memory_space<vmem>>, vector<16xi32>,
      tpu.vector_store_idx %arg5[%get3A_23], %broadcast_in_dim3A_8 {add = true} : memref<10240xf32, #tpu.memory_space<vmem>>[vector<16xi32>], vector<16xf32>,
      %get3A_24 = arith.index_cast %scan3A_15 : i32 to index
      %get3A_25 = arith.constant 48 : index
      %get3A_26 = tpu.vector_load %arg4[%get3A_24, %get3A_25] {strides = array<i32>} : memref<79x128xi32, #tpu.memory_space<vmem>>, vector<16xi32>,
      tpu.vector_store_idx %arg5[%get3A_26], %broadcast_in_dim3A_8 {add = true} : memref<10240xf32, #tpu.memory_space<vmem>>[vector<16xi32>], vector<16xf32>,
      %get3A_27 = arith.index_cast %scan3A_15 : i32 to index
      %get3A_28 = arith.constant 64 : index
      %get3A_29 = tpu.vector_load %arg4[%get3A_27, %get3A_28] {strides = array<i32>} : memref<79x128xi32, #tpu.memory_space<vmem>>, vector<16xi32>,
      tpu.vector_store_idx %arg5[%get3A_29], %broadcast_in_dim3A_8 {add = true} : memref<10240xf32, #tpu.memory_space<vmem>>[vector<16xi32>], vector<16xf32>,
      %get3A_30 = arith.index_cast %scan3A_15 : i32 to index
      %get3A_31 = arith.constant 80 : index
      %get3A_32 = tpu.vector_load %arg4[%get3A_30, %get3A_31] {strides = array<i32>} : memref<79x128xi32, #tpu.memory_space<vmem>>, vector<16xi32>,
      tpu.vector_store_idx %arg5[%get3A_32], %broadcast_in_dim3A_8 {add = true} : memref<10240xf32, #tpu.memory_space<vmem>>[vector<16xi32>], vector<16xf32>,
      %get3A_33 = arith.index_cast %scan3A_15 : i32 to index
      %get3A_34 = arith.constant 96 : index
      %get3A_35 = tpu.vector_load %arg4[%get3A_33, %get3A_34] {strides = array<i32>} : memref<79x128xi32, #tpu.memory_space<vmem>>, vector<16xi32>,
      tpu.vector_store_idx %arg5[%get3A_35], %broadcast_in_dim3A_8 {add = true} : memref<10240xf32, #tpu.memory_space<vmem>>[vector<16xi32>], vector<16xf32>,
      %get3A_36 = arith.index_cast %scan3A_15 : i32 to index
      %get3A_37 = arith.constant 112 : index
      %get3A_38 = tpu.vector_load %arg4[%get3A_36, %get3A_37] {strides = array<i32>} : memref<79x128xi32, #tpu.memory_space<vmem>>, vector<16xi32>,
      tpu.vector_store_idx %arg5[%get3A_38], %broadcast_in_dim3A_8 {add = true} : memref<10240xf32, #tpu.memory_space<vmem>>[vector<16xi32>], vector<16xf32>,
    }
    %scan3A_14 = arith.constant 79 : i32
    "tpu.region"() ({
      %run_scoped3A = tpu.sem_alloc : memref<!tpu.dma_semaphore, #tpu.memory_space<semaphore_mem>>
      %dma_start3A = arith.constant 0 : i32
      %dma_start3A_15 = tpu.memref_slice %arg3[%add3A, %dma_start3A] : memref<32x10240xf32, #tpu.memory_space<hbm>> -> memref<1x10240xf32, #tpu.memory_space<hbm>>
      %dma_start3A_16 = tpu.memref_squeeze %dma_start3A_15 : memref<1x10240xf32, #tpu.memory_space<hbm>> -> memref<10240xf32, #tpu.memory_space<hbm>>
      %dma_start3A_17 = arith.constant 0 : i32
      %dma_start3A_18 = tpu.memref_slice %arg3[%add3A, %dma_start3A_17] : memref<32x10240xf32, #tpu.memory_space<hbm>> -> memref<1x10240xf32, #tpu.memory_space<hbm>>
      %dma_start3A_19 = tpu.memref_squeeze %dma_start3A_18 : memref<1x10240xf32, #tpu.memory_space<hbm>> -> memref<10240xf32, #tpu.memory_space<hbm>>
      tpu.enqueue_dma source(%arg5 : memref<10240xf32, #tpu.memory_space<vmem>>) target(%dma_start3A_19 : memref<10240xf32, #tpu.memory_space<hbm>>) target_semaphore(%run_scoped3A : memref<!tpu.dma_semaphore, #tpu.memory_space<semaphore_mem>>)
      %dma_wait3A = arith.constant 0 : i32
      %dma_wait3A_20 = tpu.memref_slice %arg3[%add3A, %dma_wait3A] : memref<32x10240xf32, #tpu.memory_space<hbm>> -> memref<1x10240xf32, #tpu.memory_space<hbm>>
      %dma_wait3A_21 = tpu.memref_squeeze %dma_wait3A_20 : memref<1x10240xf32, #tpu.memory_space<hbm>> -> memref<10240xf32, #tpu.memory_space<hbm>>
      %dma_wait3A_22 = arith.constant 0 : i32
      %dma_wait3A_23 = tpu.memref_slice %arg3[%add3A, %dma_wait3A_22] : memref<32x10240xf32, #tpu.memory_space<hbm>> -> memref<1x10240xf32, #tpu.memory_space<hbm>>
      %dma_wait3A_24 = tpu.memref_squeeze %dma_wait3A_23 : memref<1x10240xf32, #tpu.memory_space<hbm>> -> memref<10240xf32, #tpu.memory_space<hbm>>
      tpu.wait_dma2 semaphore(%run_scoped3A : memref<!tpu.dma_semaphore, #tpu.memory_space<semaphore_mem>>) src(%arg5 : memref<10240xf32, #tpu.memory_space<vmem>>) dst(%dma_wait3A_24 : memref<10240xf32, #tpu.memory_space<hbm>>)
      tpu.yield
    }) : () -> ()
    return
  }
}

module attributes {stable_mosaic.version = 14 : i64} {
  func.func @_tc1_body(%arg0: i32, %arg1: memref<1024x128xf32, #tpu.memory_space<vmem>>, %arg2: memref<128x128xf32, #tpu.memory_space<vmem>>, %arg3: memref<32x1024xf32, #tpu.memory_space<vmem>>, %arg4: memref<1024x128xf32, #tpu.memory_space<vmem>>, %arg5: memref<1024x1xf32, #tpu.memory_space<vmem>>) attributes {dimension_semantics = [#tpu.dimension_semantics<arbitrary>], iteration_bounds = array<i64: 10>, scalar_prefetch = 0 : i64, scratch_operands = 0 : i64, tpu.core_type = #tpu.core_type<tc>, window_params = [{transform_indices = @transform_0, window_bounds = array<i64: 1024, 128>}, {pipeline_mode = #tpu.pipeline_mode<synchronous>, transform_indices = @transform_1, window_bounds = array<i64: 128, 128>}, {transform_indices = @transform_2, window_bounds = array<i64: 32, 1024>}, {transform_indices = @transform_3, window_bounds = array<i64: 1024, 128>}, {transform_indices = @transform_4, window_bounds = array<i64: 1024, 1>}]} {
    %get3A = arith.constant 0 : index
    %get3A_0 = arith.constant 0 : index
    %get3A_1 = vector.load %arg3[%get3A, %get3A_0] : memref<32x1024xf32, #tpu.memory_space<vmem>>, vector<32x1024xf32>
    %reduce_sum3A = arith.constant dense<0.000000e+00> : vector<1024xf32>
    %reduce_sum3A_2 = vector.multi_reduction <add>, %get3A_1, %reduce_sum3A [0] : vector<32x1024xf32> to vector<1024xf32>
    %add3A = arith.constant 1.000000e+00 : f32
    %add3A_3 = vector.broadcast %add3A : f32 to vector<1024xf32>
    %add3A_4 = arith.addf %reduce_sum3A_2, %add3A_3 : vector<1024xf32>
    %mul3A = arith.constant 1024 : i32
    %mul3A_5 = arith.muli %arg0, %mul3A : i32
    %iota3A = tpu.iota {dimensions = array<i32: 1>} : vector<1x1024xi32>
    %iota3A_6 = vector.shape_cast %iota3A : vector<1x1024xi32> to vector<1024xi32>
    %add3A_7 = vector.broadcast %mul3A_5 : i32 to vector<1024xi32>
    %add3A_8 = arith.addi %add3A_7, %iota3A_6 : vector<1024xi32>
    %lt3A = arith.constant 10000 : i32
    %lt3A_9 = vector.broadcast %lt3A : i32 to vector<1024xi32>
    %lt3A_10 = arith.cmpi slt, %add3A_8, %lt3A_9 : vector<1024xi32>
    %rsqrt3A = math.rsqrt %add3A_4 : vector<1024xf32>
    %jit3A = arith.constant 0.000000e+00 : f32
    %broadcast_in_dim3A = vector.broadcast %jit3A : f32 to vector<1024xf32>
    %select_n3A = arith.select %lt3A_10, %rsqrt3A, %broadcast_in_dim3A : vector<1024xi1>, vector<1024xf32>
    %get3A_11 = arith.constant 0 : index
    %get3A_12 = arith.constant 0 : index
    %get3A_13 = vector.load %arg1[%get3A_11, %get3A_12] : memref<1024x128xf32, #tpu.memory_space<vmem>>, vector<1024x128xf32>
    %broadcast_in_dim3A_14 = vector.shape_cast %select_n3A : vector<1024xf32> to vector<1024x1xf32>
    %mul3A_15 = vector.broadcast %broadcast_in_dim3A_14 : vector<1024x1xf32> to vector<1024x128xf32>
    %mul3A_16 = arith.mulf %get3A_13, %mul3A_15 : vector<1024x128xf32>
    %get3A_17 = arith.constant 0 : index
    %get3A_18 = arith.constant 0 : index
    %get3A_19 = vector.load %arg2[%get3A_17, %get3A_18] : memref<128x128xf32, #tpu.memory_space<vmem>>, vector<128x128xf32>
    %dot_general3A = arith.constant dense<0.000000e+00> : vector<1024x128xf32>
    %dot_general3A_20 = tpu.matmul %mul3A_16, %get3A_19, %dot_general3A {dimension_numbers = #tpu.dot_dimension_numbers<[1], [0], [0], [1], [0, 0, 1, 1], [], []>, transpose_lhs_hint = false} : vector<1024x128xf32>, vector<128x128xf32>, vector<1024x128xf32> -> vector<1024x128xf32>
    %swap3A = arith.constant 0 : index
    %swap3A_21 = arith.constant 0 : index
    %swap3A_22 = vector.load %arg4[%swap3A, %swap3A_21] : memref<1024x128xf32, #tpu.memory_space<vmem>>, vector<1024x128xf32>
    tpu.vector_store %arg4[%swap3A, %swap3A_21], %dot_general3A_20 {strides = array<i32>} : memref<1024x128xf32, #tpu.memory_space<vmem>>, vector<1024x128xf32>,
    %broadcast_in_dim3A_23 = vector.shape_cast %select_n3A : vector<1024xf32> to vector<1024x1xf32>
    %swap3A_24 = arith.constant 0 : index
    %swap3A_25 = arith.constant 0 : index
    %swap3A_26 = vector.load %arg5[%swap3A_24, %swap3A_25] : memref<1024x1xf32, #tpu.memory_space<vmem>>, vector<1024x1xf32>
    tpu.vector_store %arg5[%swap3A_24, %swap3A_25], %broadcast_in_dim3A_23 {strides = array<i32>} : memref<1024x1xf32, #tpu.memory_space<vmem>>, vector<1024x1xf32>,
    return
  }
  func.func @transform_0(%arg0: i32) -> (i32, i32) {
    %c0_i32 = arith.constant 0 : i32
    %c0_i32_0 = arith.constant 0 : i32
    return %arg0, %c0_i32 : i32, i32
  }
  func.func @transform_1(%arg0: i32) -> (i32, i32) {
    %c0_i32 = arith.constant 0 : i32
    %c0_i32_0 = arith.constant 0 : i32
    %c0_i32_1 = arith.constant 0 : i32
    return %c0_i32, %c0_i32_0 : i32, i32
  }
  func.func @transform_2(%arg0: i32) -> (i32, i32) {
    %c0_i32 = arith.constant 0 : i32
    %c0_i32_0 = arith.constant 0 : i32
    return %c0_i32, %arg0 : i32, i32
  }
  func.func @transform_3(%arg0: i32) -> (i32, i32) {
    %c0_i32 = arith.constant 0 : i32
    %c0_i32_0 = arith.constant 0 : i32
    return %arg0, %c0_i32 : i32, i32
  }
  func.func @transform_4(%arg0: i32) -> (i32, i32) {
    %c0_i32 = arith.constant 0 : i32
    %c0_i32_0 = arith.constant 0 : i32
    return %arg0, %c0_i32 : i32, i32
  }
}

module attributes {stable_mosaic.version = 14 : i64} {
  func.func @_tc2_body(%arg0: i32, %arg1: memref<2x1024x128xf32, #tpu.memory_space<vmem>>, %arg2: memref<1024x128xf32, #tpu.memory_space<vmem>>, %arg3: memref<1024x1xf32, #tpu.memory_space<vmem>>, %arg4: memref<1x128xf32, #tpu.memory_space<vmem>>, %arg5: memref<128x128xf32, #tpu.memory_space<vmem>>, %arg6: memref<1024x128xf32, #tpu.memory_space<vmem>>) attributes {dimension_semantics = [#tpu.dimension_semantics<arbitrary>], iteration_bounds = array<i64: 10>, scalar_prefetch = 0 : i64, scratch_operands = 0 : i64, tpu.core_type = #tpu.core_type<tc>, window_params = [{transform_indices = @transform_0, window_bounds = array<i64: 2, 1024, 128>}, {transform_indices = @transform_1, window_bounds = array<i64: 1024, 128>}, {transform_indices = @transform_2, window_bounds = array<i64: 1024, 1>}, {pipeline_mode = #tpu.pipeline_mode<synchronous>, transform_indices = @transform_3, window_bounds = array<i64: 1, 128>}, {pipeline_mode = #tpu.pipeline_mode<synchronous>, transform_indices = @transform_4, window_bounds = array<i64: 128, 128>}, {transform_indices = @transform_5, window_bounds = array<i64: 1024, 128>}]} {
    %get3A = arith.constant 0 : index
    %get3A_0 = arith.constant 0 : index
    %get3A_1 = vector.load %arg3[%get3A, %get3A_0] : memref<1024x1xf32, #tpu.memory_space<vmem>>, vector<1024x1xf32>
    %get3A_2 = arith.constant 0 : index
    %get3A_3 = arith.constant 0 : index
    %get3A_4 = arith.constant 0 : index
    %get3A_5 = vector.load %arg1[%get3A_2, %get3A_3, %get3A_4] : memref<2x1024x128xf32, #tpu.memory_space<vmem>>, vector<1x1024x128xf32>
    %get3A_6 = vector.shape_cast %get3A_5 : vector<1x1024x128xf32> to vector<1024x128xf32>
    %get3A_7 = arith.constant 1 : index
    %get3A_8 = arith.constant 0 : index
    %get3A_9 = arith.constant 0 : index
    %get3A_10 = vector.load %arg1[%get3A_7, %get3A_8, %get3A_9] : memref<2x1024x128xf32, #tpu.memory_space<vmem>>, vector<1x1024x128xf32>
    %get3A_11 = vector.shape_cast %get3A_10 : vector<1x1024x128xf32> to vector<1024x128xf32>
    %add3A = arith.addf %get3A_6, %get3A_11 : vector<1024x128xf32>
    %get3A_12 = arith.constant 0 : index
    %get3A_13 = arith.constant 0 : index
    %get3A_14 = vector.load %arg2[%get3A_12, %get3A_13] : memref<1024x128xf32, #tpu.memory_space<vmem>>, vector<1024x128xf32>
    %add3A_15 = arith.addf %add3A, %get3A_14 : vector<1024x128xf32>
    %mul3A = vector.broadcast %get3A_1 : vector<1024x1xf32> to vector<1024x128xf32>
    %mul3A_16 = arith.mulf %add3A_15, %mul3A : vector<1024x128xf32>
    %get3A_17 = arith.constant 0 : index
    %get3A_18 = arith.constant 0 : index
    %get3A_19 = vector.load %arg4[%get3A_17, %get3A_18] : memref<1x128xf32, #tpu.memory_space<vmem>>, vector<1x128xf32>
    %add3A_20 = vector.broadcast %get3A_19 : vector<1x128xf32> to vector<1024x128xf32>
    %add3A_21 = arith.addf %mul3A_16, %add3A_20 : vector<1024x128xf32>
    %max3A = arith.constant 0.000000e+00 : f32
    %max3A_22 = vector.broadcast %max3A : f32 to vector<1024x128xf32>
    %max3A_23 = arith.maximumf %add3A_21, %max3A_22 : vector<1024x128xf32>
    %mul3A_24 = vector.broadcast %get3A_1 : vector<1024x1xf32> to vector<1024x128xf32>
    %mul3A_25 = arith.mulf %max3A_23, %mul3A_24 : vector<1024x128xf32>
    %get3A_26 = arith.constant 0 : index
    %get3A_27 = arith.constant 0 : index
    %get3A_28 = vector.load %arg5[%get3A_26, %get3A_27] : memref<128x128xf32, #tpu.memory_space<vmem>>, vector<128x128xf32>
    %dot_general3A = arith.constant dense<0.000000e+00> : vector<1024x128xf32>
    %dot_general3A_29 = tpu.matmul %mul3A_25, %get3A_28, %dot_general3A {dimension_numbers = #tpu.dot_dimension_numbers<[1], [0], [0], [1], [0, 0, 1, 1], [], []>, transpose_lhs_hint = false} : vector<1024x128xf32>, vector<128x128xf32>, vector<1024x128xf32> -> vector<1024x128xf32>
    %swap3A = arith.constant 0 : index
    %swap3A_30 = arith.constant 0 : index
    %swap3A_31 = vector.load %arg6[%swap3A, %swap3A_30] : memref<1024x128xf32, #tpu.memory_space<vmem>>, vector<1024x128xf32>
    tpu.vector_store %arg6[%swap3A, %swap3A_30], %dot_general3A_29 {strides = array<i32>} : memref<1024x128xf32, #tpu.memory_space<vmem>>, vector<1024x128xf32>,
    return
  }
  func.func @transform_0(%arg0: i32) -> (i32, i32, i32) {
    %c0_i32 = arith.constant 0 : i32
    %c0_i32_0 = arith.constant 0 : i32
    %c0_i32_1 = arith.constant 0 : i32
    return %c0_i32, %arg0, %c0_i32_0 : i32, i32, i32
  }
  func.func @transform_1(%arg0: i32) -> (i32, i32) {
    %c0_i32 = arith.constant 0 : i32
    %c0_i32_0 = arith.constant 0 : i32
    return %arg0, %c0_i32 : i32, i32
  }
  func.func @transform_2(%arg0: i32) -> (i32, i32) {
    %c0_i32 = arith.constant 0 : i32
    %c0_i32_0 = arith.constant 0 : i32
    return %arg0, %c0_i32 : i32, i32
  }
  func.func @transform_3(%arg0: i32) -> (i32, i32) {
    %c0_i32 = arith.constant 0 : i32
    %c0_i32_0 = arith.constant 0 : i32
    %c0_i32_1 = arith.constant 0 : i32
    return %c0_i32, %c0_i32_0 : i32, i32
  }
  func.func @transform_4(%arg0: i32) -> (i32, i32) {
    %c0_i32 = arith.constant 0 : i32
    %c0_i32_0 = arith.constant 0 : i32
    %c0_i32_1 = arith.constant 0 : i32
    return %c0_i32, %c0_i32_0 : i32, i32
  }
  func.func @transform_5(%arg0: i32) -> (i32, i32) {
    %c0_i32 = arith.constant 0 : i32
    %c0_i32_0 = arith.constant 0 : i32
    return %arg0, %c0_i32 : i32, i32
  }
}

module attributes {stable_mosaic.version = 14 : i64} {
  func.func @_tc3_body(%arg0: i32, %arg1: memref<2x1024x128xf32, #tpu.memory_space<vmem>>, %arg2: memref<1024x128xf32, #tpu.memory_space<vmem>>, %arg3: memref<1024x1xf32, #tpu.memory_space<vmem>>, %arg4: memref<1x128xf32, #tpu.memory_space<vmem>>, %arg5: memref<128x128xf32, #tpu.memory_space<vmem>>, %arg6: memref<1x128xf32, #tpu.memory_space<vmem>>, %arg7: memref<1024x128xf32, #tpu.memory_space<vmem>>, %arg8: memref<1024x128xf32, #tpu.memory_space<vmem>>) attributes {dimension_semantics = [#tpu.dimension_semantics<arbitrary>], iteration_bounds = array<i64: 10>, scalar_prefetch = 0 : i64, scratch_operands = 0 : i64, tpu.core_type = #tpu.core_type<tc>, window_params = [{transform_indices = @transform_0, window_bounds = array<i64: 2, 1024, 128>}, {transform_indices = @transform_1, window_bounds = array<i64: 1024, 128>}, {transform_indices = @transform_2, window_bounds = array<i64: 1024, 1>}, {pipeline_mode = #tpu.pipeline_mode<synchronous>, transform_indices = @transform_3, window_bounds = array<i64: 1, 128>}, {pipeline_mode = #tpu.pipeline_mode<synchronous>, transform_indices = @transform_4, window_bounds = array<i64: 128, 128>}, {pipeline_mode = #tpu.pipeline_mode<synchronous>, transform_indices = @transform_5, window_bounds = array<i64: 1, 128>}, {transform_indices = @transform_6, window_bounds = array<i64: 1024, 128>}, {transform_indices = @transform_7, window_bounds = array<i64: 1024, 128>}]} {
    %get3A = arith.constant 0 : index
    %get3A_0 = arith.constant 0 : index
    %get3A_1 = vector.load %arg3[%get3A, %get3A_0] : memref<1024x1xf32, #tpu.memory_space<vmem>>, vector<1024x1xf32>
    %get3A_2 = arith.constant 0 : index
    %get3A_3 = arith.constant 0 : index
    %get3A_4 = arith.constant 0 : index
    %get3A_5 = vector.load %arg1[%get3A_2, %get3A_3, %get3A_4] : memref<2x1024x128xf32, #tpu.memory_space<vmem>>, vector<1x1024x128xf32>
    %get3A_6 = vector.shape_cast %get3A_5 : vector<1x1024x128xf32> to vector<1024x128xf32>
    %get3A_7 = arith.constant 1 : index
    %get3A_8 = arith.constant 0 : index
    %get3A_9 = arith.constant 0 : index
    %get3A_10 = vector.load %arg1[%get3A_7, %get3A_8, %get3A_9] : memref<2x1024x128xf32, #tpu.memory_space<vmem>>, vector<1x1024x128xf32>
    %get3A_11 = vector.shape_cast %get3A_10 : vector<1x1024x128xf32> to vector<1024x128xf32>
    %add3A = arith.addf %get3A_6, %get3A_11 : vector<1024x128xf32>
    %get3A_12 = arith.constant 0 : index
    %get3A_13 = arith.constant 0 : index
    %get3A_14 = vector.load %arg2[%get3A_12, %get3A_13] : memref<1024x128xf32, #tpu.memory_space<vmem>>, vector<1024x128xf32>
    %add3A_15 = arith.addf %add3A, %get3A_14 : vector<1024x128xf32>
    %mul3A = vector.broadcast %get3A_1 : vector<1024x1xf32> to vector<1024x128xf32>
    %mul3A_16 = arith.mulf %add3A_15, %mul3A : vector<1024x128xf32>
    %get3A_17 = arith.constant 0 : index
    %get3A_18 = arith.constant 0 : index
    %get3A_19 = vector.load %arg4[%get3A_17, %get3A_18] : memref<1x128xf32, #tpu.memory_space<vmem>>, vector<1x128xf32>
    %add3A_20 = vector.broadcast %get3A_19 : vector<1x128xf32> to vector<1024x128xf32>
    %add3A_21 = arith.addf %mul3A_16, %add3A_20 : vector<1024x128xf32>
    %swap3A = arith.constant 0 : index
    %swap3A_22 = arith.constant 0 : index
    %swap3A_23 = vector.load %arg7[%swap3A, %swap3A_22] : memref<1024x128xf32, #tpu.memory_space<vmem>>, vector<1024x128xf32>
    tpu.vector_store %arg7[%swap3A, %swap3A_22], %add3A_21 {strides = array<i32>} : memref<1024x128xf32, #tpu.memory_space<vmem>>, vector<1024x128xf32>,
    %get3A_24 = arith.constant 0 : index
    %get3A_25 = arith.constant 0 : index
    %get3A_26 = vector.load %arg5[%get3A_24, %get3A_25] : memref<128x128xf32, #tpu.memory_space<vmem>>, vector<128x128xf32>
    %dot_general3A = arith.constant dense<0.000000e+00> : vector<1024x128xf32>
    %dot_general3A_27 = tpu.matmul %add3A_21, %get3A_26, %dot_general3A {dimension_numbers = #tpu.dot_dimension_numbers<[1], [1], [0], [0], [0, 0, 1, 0], [], []>, transpose_lhs_hint = false} : vector<1024x128xf32>, vector<128x128xf32>, vector<1024x128xf32> -> vector<1024x128xf32>
    %get3A_28 = arith.constant 0 : index
    %get3A_29 = arith.constant 0 : index
    %get3A_30 = vector.load %arg6[%get3A_28, %get3A_29] : memref<1x128xf32, #tpu.memory_space<vmem>>, vector<1x128xf32>
    %add3A_31 = vector.broadcast %get3A_30 : vector<1x128xf32> to vector<1024x128xf32>
    %add3A_32 = arith.addf %dot_general3A_27, %add3A_31 : vector<1024x128xf32>
    %swap3A_33 = arith.constant 0 : index
    %swap3A_34 = arith.constant 0 : index
    %swap3A_35 = vector.load %arg8[%swap3A_33, %swap3A_34] : memref<1024x128xf32, #tpu.memory_space<vmem>>, vector<1024x128xf32>
    tpu.vector_store %arg8[%swap3A_33, %swap3A_34], %add3A_32 {strides = array<i32>} : memref<1024x128xf32, #tpu.memory_space<vmem>>, vector<1024x128xf32>,
    return
  }
  func.func @transform_0(%arg0: i32) -> (i32, i32, i32) {
    %c0_i32 = arith.constant 0 : i32
    %c0_i32_0 = arith.constant 0 : i32
    %c0_i32_1 = arith.constant 0 : i32
    return %c0_i32, %arg0, %c0_i32_0 : i32, i32, i32
  }
  func.func @transform_1(%arg0: i32) -> (i32, i32) {
    %c0_i32 = arith.constant 0 : i32
    %c0_i32_0 = arith.constant 0 : i32
    return %arg0, %c0_i32 : i32, i32
  }
  func.func @transform_2(%arg0: i32) -> (i32, i32) {
    %c0_i32 = arith.constant 0 : i32
    %c0_i32_0 = arith.constant 0 : i32
    return %arg0, %c0_i32 : i32, i32
  }
  func.func @transform_3(%arg0: i32) -> (i32, i32) {
    %c0_i32 = arith.constant 0 : i32
    %c0_i32_0 = arith.constant 0 : i32
    %c0_i32_1 = arith.constant 0 : i32
    return %c0_i32, %c0_i32_0 : i32, i32
  }
  func.func @transform_4(%arg0: i32) -> (i32, i32) {
    %c0_i32 = arith.constant 0 : i32
    %c0_i32_0 = arith.constant 0 : i32
    %c0_i32_1 = arith.constant 0 : i32
    return %c0_i32, %c0_i32_0 : i32, i32
  }
  func.func @transform_5(%arg0: i32) -> (i32, i32) {
    %c0_i32 = arith.constant 0 : i32
    %c0_i32_0 = arith.constant 0 : i32
    %c0_i32_1 = arith.constant 0 : i32
    return %c0_i32, %c0_i32_0 : i32, i32
  }
  func.func @transform_6(%arg0: i32) -> (i32, i32) {
    %c0_i32 = arith.constant 0 : i32
    %c0_i32_0 = arith.constant 0 : i32
    return %arg0, %c0_i32 : i32, i32
  }
  func.func @transform_7(%arg0: i32) -> (i32, i32) {
    %c0_i32 = arith.constant 0 : i32
    %c0_i32_0 = arith.constant 0 : i32
    return %arg0, %c0_i32 : i32, i32
  }
}

</mosaic_0001>

<sc_bundles>
// kernel: kernel.11.cloned.1.call-start
scs
__scs_entry_jumppad:
0x0: {  	(pc) =	sbr.rel $0x88, $3  }
0x1: {  	(tag) =	ssettag $0x0;
	lr =	simm.s32 $0x1  }
0x2: {  	[smem:$0x3F99] =	sst lr;
	_ =	strace $0xD0000000  }
0x3: {  	_ = 	snop  }
0x4: {  	_ = 	snop  }
0x5: {  	_ = 	snop  }
0x6: {  	_ = 	snop  }
0x7: {  	_ = 	snop  }
__scs_overlays_trampoline_lowered:
0x8: {  	[smem:$0x3FA8] =	sst s0  }
0x9: {  	[smem:$0x3FA9] =	sst s1  }
0xa: {  	[smem:$0x3FAA] =	sst s2  }
0xb: {  	[smem:$0x3FAB] =	sst s3  }
0xc: {  	[smem:$0x3FAC] =	sst s4  }
0xd: {  	[smem:$0x3FAD] =	sst s5  }
0xe: {  	[smem:$0x3FAE] =	sst s6  }
0xf: {  	[smem:$0x3FAF] =	sst s7  }
0x10: {  	[smem:$0x3FB0] =	sst s8  }
0x11: {  	[smem:$0x3FB1] =	sst s9;
	s0 =	simm.s32 @!p0 $0x0  }
0x12: {  	s1 =	sld [smem:$0x3F97];
	s0 =	simm.s32 @p0 $0x1  }
0x13: {  	[smem:$0x3FB2] =	sst s0;
	s0 =	simm.s32 @!p1 $0x0  }
0x14: {  	s2 =	sld [smem:$0x3F96];
	s0 =	simm.s32 @p1 $0x1  }
0x15: {  	[smem:$0x3FB3] =	sst s0;
	s0 =	simm.s32 @!p2 $0x0  }
0x16: {  	s3 =	sld [smem:$0x3FDB];
	s0 =	simm.s32 @p2 $0x1  }
0x17: {  	s4 =	simm.s32 $0x1BF5;
	[smem:$0x3FB5] =	sst s0  }
0x18: {  	s0 =	sld [smem:$0x3F98];
	_ =	swait.ge [sflag:s4], $0x0  }
0x19: {  	s7 =	sld [smem:$0x3F99]  }
0x1a: {  	s8 =	sadd.s32 $0xFFFFE003, lr  }
0x1b: {  	s9 =	sadd.s32 $0xFFFFFEF7, lr;
	s5 =	simm.s32 $0xFFFFFFFF;
	p2 =	slt.u32 s8, $0xFFFFF086  }
0x1c: {  	p1 =	slt.u32 s9, $0xF7A;
	s5 =	simm.s32 @!p2 $0x0  }
0x1d: {  	s5 =	simm.s32 @p1 $0x1;
	p0 =	seq.s32 s7, s2  }
0x1e: {  	s7 =	smul.u32 @!p0 $0xF7A, s2;
	p2 =	seq.s32 @!p0 s5, $0x0  }
0x1f: {  	s9 =	smul.u32 $0xF7A, s1;
	s8 =	simm.s32 @!p0 $0x1BF5;
	p2 =	por !p2, p0  }
0x20: {  	[sflag:s8] =	ssyncset.s32 @!p0 $0xFFFFF086;
	s6 =	sadd.s32 @!p0 s3, s7;
	s7 =	simm.s32 @!p0 $0x108  }
0x21: {  	s3 =	sadd.s32 s3, s9;
	s6 =	sadd.s32 @!p0 $0x88, s6;
	s7 =	simm.s32 @p2 $0x1082  }
0x22: {  	[simem:s7], [sflag:s8] =	dma.local @!p0 [hbm:s6], $0xF7A  }
0x23: {  	s9 =	sor.u32 $0xD0000000, s2;
	s6 =	simm.s32 $0x108;
	_ =	swait.ge @!p0 [sflag:s8], $0x0  }
0x24: {  	s3 =	sadd.s32 $0x88, s3;
	s6 =	simm.s32 @!p1 $0x1082;
	[sflag:s4] =	ssyncset.s32 $0xFFFFF086  }
0x25: {  	[simem:s6], [sflag:s4] =	dma.local [hbm:s3], $0xF7A  }
0x26: {  	[smem:$0x3F99] =	sst s1;
	(tag) =	ssettag s2;
	_ =	strace s9  }
0x27: {  	s1 =	sld [smem:$0x3FA9]  }
0x28: {  	s2 =	sld [smem:$0x3FAA]  }
0x29: {  	s4 =	sld [smem:$0x3FAC]  }
0x2a: {  	p0 =	seq.s32 s5, $0x0;
	s5 =	sld [smem:$0x3FAD]  }
0x2b: {  	s6 =	sld [smem:$0x3FAE]  }
0x2c: {  	s7 =	sld [smem:$0x3FAF]  }
0x2d: {  	s3 =	simm.s32 $0x108;
	s8 =	sld [smem:$0x3FB0]  }
0x2e: {  	s3 =	simm.s32 @!p0 $0x1082;
	s9 =	sld [smem:$0x3FB1]  }
0x2f: {  	lr =	sadd.s32 s0, s3;
	s0 =	sld [smem:$0x3FA8]  }
0x30: {  	s3 =	sld [smem:$0x3FAB]  }
0x31: {  	[smem:$0x3FB4] =	sst s10  }
0x32: {  	s10 =	sld [smem:$0x3FB2];
	_ =	sdelay $0x3  }
0x33: {  	p0 =	seq.s32 s10, $0x1;
	s10 =	sld [smem:$0x3FB4];
	_ =	sdelay $0x3  }
0x34: {  	[smem:$0x3FB4] =	sst s10  }
0x35: {  	s10 =	sld [smem:$0x3FB3];
	_ =	sdelay $0x3  }
0x36: {  	p1 =	seq.s32 s10, $0x1;
	s10 =	sld [smem:$0x3FB4];
	_ =	sdelay $0x3  }
0x37: {  	[smem:$0x3FB4] =	sst s10  }
0x38: {  	s10 =	sld [smem:$0x3FB5]  }
0x39: {  	_ = 	snop;
	(pc) =	sbr.ind lr, $3  }
0x3a: {  	_ = 	snop  }
0x3b: {  	_ = 	snop  }
0x3c: {  	p2 =	seq.s32 s10, $0x1;
	s10 =	sld [smem:$0x3FB4]  }
0x3d: {  	_ =	shalt  }
0x3e: {  	_ =	shalt  }
0x3f: {  	_ =	shalt  }
0x40: {  	_ =	shalt  }
0x41: {  	_ =	shalt  }
0x42: {  	_ =	shalt  }
0x43: {  	_ =	shalt  }
0x44: {  	_ =	shalt  }
0x45: {  	_ =	shalt  }
0x46: {  	_ =	shalt  }
0x47: {  	_ =	shalt  }
0x48: {  	_ =	shalt  }
0x49: {  	_ =	shalt  }
0x4a: {  	_ =	shalt  }
0x4b: {  	_ =	shalt  }
0x4c: {  	_ =	shalt  }
0x4d: {  	_ =	shalt  }
0x4e: {  	_ =	shalt  }
0x4f: {  	_ =	shalt  }
0x50: {  	_ =	shalt  }
0x51: {  	_ =	shalt  }
0x52: {  	_ =	shalt  }
0x53: {  	_ =	shalt  }
0x54: {  	_ =	shalt  }
0x55: {  	_ =	shalt  }
0x56: {  	_ =	shalt  }
0x57: {  	_ =	shalt  }
0x58: {  	_ =	shalt  }
0x59: {  	_ =	shalt  }
0x5a: {  	_ =	shalt  }
0x5b: {  	_ =	shalt  }
0x5c: {  	_ =	shalt  }
0x5d: {  	_ =	shalt  }
0x5e: {  	_ =	shalt  }
0x5f: {  	_ =	shalt  }
0x60: {  	_ =	shalt  }
0x61: {  	_ =	shalt  }
0x62: {  	_ =	shalt  }
0x63: {  	_ =	shalt  }
0x64: {  	_ =	shalt  }
0x65: {  	_ =	shalt  }
0x66: {  	_ =	shalt  }
0x67: {  	_ =	shalt  }
0x68: {  	_ =	shalt  }
0x69: {  	_ =	shalt  }
0x6a: {  	_ =	shalt  }
0x6b: {  	_ =	shalt  }
0x6c: {  	_ =	shalt  }
0x6d: {  	_ =	shalt  }
0x6e: {  	_ =	shalt  }
0x6f: {  	_ =	shalt  }
0x70: {  	_ =	shalt  }
0x71: {  	_ =	shalt  }
0x72: {  	_ =	shalt  }
0x73: {  	_ =	shalt  }
0x74: {  	_ =	shalt  }
0x75: {  	_ =	shalt  }
0x76: {  	_ =	shalt  }
0x77: {  	_ =	shalt  }
0x78: {  	_ =	shalt  }
0x79: {  	_ =	shalt  }
0x7a: {  	_ =	shalt  }
0x7b: {  	_ =	shalt  }
0x7c: {  	_ =	shalt  }
0x7d: {  	_ =	shalt  }
0x7e: {  	_ =	shalt  }
0x7f: {  	_ =	shalt  }
0x80: {  	_ =	shalt  }
0x81: {  	_ =	shalt  }
0x82: {  	_ =	shalt  }
0x83: {  	_ =	shalt  }
0x84: {  	_ =	shalt  }
0x85: {  	_ =	shalt  }
0x86: {  	_ =	shalt  }
0x87: {  	_ =	shalt  }
.Lfunc_end0:
.L_simem_size_0:
called_computation.1_lowered:
.L_overlay_start_0:
0x88: {  	s2 =	sld [smem:$0x3FD9]  }
0x89: {  	s3 =	sld [smem:$0x3FFE];
	_ =	sdelay $0x1  }
0x8a: {  	s1 =	srdreg.scid  }
0x8b: {  	s0 =	sand.u32 $0x1, s1  }
0x8c: {  	s14 =	sshll.u32 s0, $0xA;
	s2 =	sadd.s32 s3, s2  }
0x8d: {  	s2 =	sadd.s32 s2, s14  }
0x8e: {  	[smem:$0x3FC0] =	sst s2  }
0x8f: {  	_ = 	snop  }
0x90: {  	s2 =	sld [smem:$0x3FD0];
	_ =	sdelay $0x2  }
0x91: {  	s15 =	simm.s32 $0xA;
	s4 =	simm.s32 $0x10  }
0x92: {  	[smem:s4], [sflag:s15] =	dma.local [hbm:s2], $0x1  }
0x93: {  	_ =	swait.eq [sflag:s15], $0x1  }
0x94: {  	[sflag:s15] =	ssyncset.done $0x0  }
0x95: {  	s16 =	sld [smem:$0x10];
	[sflag:s15] =	ssyncadd.s32 $0xFFFFFFFF  }
0x96: {  	s17 =	sld [smem:$0x11];
	(tm) =	ssettm $0x1  }
0x97: {  	s18 =	sld [smem:$0x3FFB];
	_ =	sdelay $0x3  }
0x98: {  	_ =	strace s18  }
0x99: {  	s4 =	sld [smem:$0x3FFC];
	_ =	sdelay $0x3  }
0x9a: {  	_ =	strace s4  }
0x9b: {  	s4 =	sld [smem:$0x3FFD];
	_ =	sdelay $0x3  }
0x9c: {  	_ =	strace s4  }
0x9d: {  	_ =	strace $0x8FFFFFFF  }
0x9e: {  	s19 =	sld [smem:$0x3FDB];
	_ =	sdelay $0x1  }
0x9f: {  	s5 =	simm.s32 $_scs_section_size  }
0xa0: {  	s6 =	simm.s32 $_size__tile_overlayer_lowered;
	s7 =	simm.s32 $_tile_overlayer_lowered  }
0xa1: {  	s22 =	simm.s32 $0x1BFF;
	s21 =	sshll.u32 s7, $0x1;
	s4 =	sadd.s32 s5, s19  }
0xa2: {  	s8 =	simm.s32 $0x0;
	s20 =	sshll.u32 s6, $0x1;
	s6 =	sadd.s32 s21, s4  }
0xa3: {  	[timem:s8], [sflag:s22] =	dma.local [hbm:s6], s20  }
0xa4: {  	_ =	swait.ge [sflag:s22], s20  }
0xa5: {  	s5 =	ssub.s32 $0x0, s20;
	[sflag:s22] =	ssyncset.done $0x0  }
0xa6: {  	[sflag:s22] =	ssyncadd.s32 s5;
	_ =	sdelay $0x1  }
0xa7: {  	s23 =	simm.s32 $0x1B8B  }
0xa8: {  	_ =	swait.ge [sflag:s23], $0x1  }
0xa9: {  	[sflag:s23] =	ssyncset.done $0x0  }
0xaa: {  	s25 =	simm.s32 $0x1B8E;
	s24 =	sld [smem:$0x3FFE];
	[sflag:s23] =	ssyncadd.s32 $0xFFFFFFFF  }
0xab: {  	s26 =	simm.s32 $execute0_lowered;
	[smem:$0x3FD2] =	sst s25  }
0xac: {  	s6 =	sshll.u32 s26, $0x1;
	_ =	strace $0x80000049;
	[dreg:$0x1] =	wrdreg $0xFFFFFFFF  }
0xad: {  	s28 =	simm.s32 $_size_execute0_lowered;
	s4 =	sadd.s32 s4, s6;
	[dreg:$0x0] =	wrdreg $0x0  }
0xae: {  	s6 =	sshll.u32 s28, $0x1;
	[dreg:$0x2] =	wrdreg s4  }
0xaf: {  	[dreg:$0x3] =	wrdreg s6  }
0xb0: {  	[dreg:$0x4] =	wrdreg $0xC0  }
0xb1: {  	_ =	task [dreg:s8], $0x5FFFF  }
0xb2: {  	[dreg:$0x1] =	wrdreg $0xFFFFFFFF  }
0xb3: {  	[dreg:$0x0] =	wrdreg $0x60  }
0xb4: {  	[dreg:$0x2] =	wrdreg s24  }
0xb5: {  	[dreg:$0x3] =	wrdreg s17  }
0xb6: {  	[dreg:$0x4] =	wrdreg s16  }
0xb7: {  	[dreg:$0x5] =	wrdreg $0x98000  }
0xb8: {  	[dreg:$0x6] =	wrdreg $0x9  }
0xb9: {  	_ =	task.clear_ibuf [dreg:s8], $0x7FFFF;
	_ =	strace $0x90000049  }
0xba: {  	s29 =	simm.s32 $0x9;
	_ =	strace $0x8000004B  }
0xbb: {  	_ =	swait.ge [sflag:s29], $0x1  }
0xbc: {  	[sflag:s29] =	ssyncadd.s32 $0xFFFFFFFF  }
0xbd: {  	_ =	strace $0x9000004B  }
0xbe: {  	_ =	sfence  }
0xbf: {  	s30 =	sld [smem:$0x0];
	_ =	sdelay $0x2  }
0xc0: {  	s31 =	sshll.u32 s1, $0xD;
	s1 =	sshrl.u32 s1, $0x2  }
0xc1: {  	s3 =	sand.u32 $0x4000, s31;
	s1 =	sadd.s32 s1, s30  }
0xc2: {  	s0 =	sor.u32 s3, s0;
	s1 =	sshll.u32 s1, $0x11  }
0xc3: {  	s0 =	sor.u32 s1, s0  }
0xc4: {  	s0 =	sadd.s32 $0x8F2B, s0  }
0xc5: {  	[sflag:s0] =	ssyncadd.remote.s32 $0x1  }
0xc6: {  	_ =	sfence.sel $0xFFFF  }
0xc7: {  	[dreg:$0x0] =	wrdreg $0xFFFFFFFF;
	(pc) =	sbr.abs _section_cstart, $3  }
0xc8: {  	[dreg:$0x1] =	wrdreg $0xFFFFFFFF  }
0xc9: {  	_ =	task.clear_ibuf [dreg:s8], $0x2FFFF;
	_ =	strace $0x9FFFFFFF  }
0xca: {  	(tm) =	ssettm $0x7FFFFFFF  }
0xcb: {  	_ =	shalt  }
tec
execute0_lowered:
.L_overlay_start_1:
0x0: {  	(tag) =	ssettag $0x1  }
0x1: {  	s0 =	rddreg [dreg:$0x0]  }
0x2: {  	s9 =	rddreg [dreg:$0x1]  }
0x3: {  	s10 =	rddreg [dreg:$0x2]  }
0x4: {  	s1 =	rddreg [dreg:$0x3];
	s3 =	simm.s32 $0x0;
	s2 =	srdreg.scid  }
0x5: {  	s25 =	stileid.u32;
	s22 =	simm.s32 $0x7800;
	s23 =	simm.s32 $0x2  }
0x6: {  	s24 =	simm.s32 $0x1C00;
	s28 =	simm.s32 $0x1;
	s29 =	simm.s32 $0x0  }
0x7: {  	[smem:$0x7FF] =	sst s3;
	s6 =	sand.u32 $0x1, s2;
	s7 =	smul.u32 $0x14000, s25  }
0x8: {  	s4 =	sadd.s32 $0x2600, s0;
	s11 =	sshll.u32 s25, $0x1;
	s26 =	smul.u32 $0x50000, s25  }
0x9: {  	s25 =	simm.s32 $0x80;
	s5 =	smul.u32 $0x140000, s6;
	s8 =	sshll.u32 s6, $0x5  }
0xa: {  	_ =	strace $0x8000004A;
	s30 =	ssub.s32 $0x2, s6;
	s8 =	sor.u32 s11, s8  }
0xb: {  	p0 =	seq.s32 s6, $0x0;
	s13 =	sshrl.u32 s30, $0x1;
	s12 =	smul.u32 $0x380, s8  }
0xc: {  	s5 =	sadd.s32 s7, s5;
	s7 =	sshrl.u32 s26, $0x2;
	s8 =	smul.u32 $0x1C00, s8  }
0xd: {  	s13 =	ssub.s32 s30, s13;
	s26 =	simm.s32 $0x3800;
	s5 =	sshrl.u32 s5, $0x3  }
0xe: {  	s0 =	sadd.s32 s5, s0;
	s5 =	sadd.s32 s7, s1;
	s6 =	sadd.s32 s9, s12  }
0xf: {  	s8 =	sshrl.u32 s8, $0x3;
	s7 =	sadd.s32 s10, s12;
	s12 =	smax.u32 s13, $0x1  }
0x10: {  	s31 =	sadd.s32 $0x380, s8;
	s8 =	simm.s32 $0x31;
	s11 =	sadd.s32 $0x2A600, s0  }
0x11: {  	s13 =	sadd.s32 $0x2000, s5;
	s14 =	sadd.s32 $0x4000, s5;
	s15 =	sadd.s32 $0x6000, s5  }
0x12: {  	s16 =	sadd.s32 $0x8000, s5;
	s17 =	sadd.s32 $0xA000, s5;
	s18 =	sadd.s32 $0xC000, s5  }
0x13: {  	s19 =	sadd.s32 $0xE000, s5;
	s20 =	sadd.s32 $0x10000, s5;
	s21 =	sadd.s32 $0x12000, s5  }
0x14: {  	v0 =	vimm.f32 $0.0e+00;
	s9 =	sadd.s32 s9, s31;
	s10 =	sadd.s32 s10, s31;
	s8 =	simm.s32 @!p0 $0x9  }
.LBB2_1:
0x15: {  	s0 =	sand.u32 $0x7E00, s3  }
0x16: {  	s30 =	sand.u32 $0x70, s3;
	s31 =	sshrl.u32 s0, $0x2  }
0x17: {  	s0 =	simm.s32 $0x40;
	s31 =	sor.u32 s30, s31;
	s30 =	simm.s32 $0x0  }
.LBB2_2:
0x18: {  	p0 =	sne.s32 s0, $0x7FC0  }
0x19: {  	[tilespmem:s31+$0x7800] =	vst v0;
	s30 =	sadd.s32 $0x10, s30;
	s31 =	smov.u32 s0;
	s0 =	sadd.s32 $0x40, s0  }
.Ltmp0:
0x1a: {  	(pc) =	sbr.rel @p0 .LBB2_2-.Ltmp0, $4  }
0x1b: {  	_ = 	snop  }
0x1c: {  	s31 =	sand.u32 $0x7E00, s31  }
0x1d: {  	s2 =	sand.u32 $0x70, s30;
	s31 =	sshrl.u32 s31, $0x2  }
0x1e: {  	s31 =	sor.u32 s2, s31  }
0x1f: {  	[tilespmem:s31+$0x7800] =	vst v0  }
0x20: {  	[spmem:s5] =	stream.linear.scatter [tilespmem:s22], [sflag:$0x2], $0x2000, $0x38;
	[tilespmem:$0x1D800] =	vst v63  }
0x21: {  	_ =	swait.ge [sflag:s23], $0x2000  }
0x22: {  	[sflag:s23] =	ssyncset.done $0x0  }
0x23: {  	[sflag:s23] =	ssyncadd.s32 $0xFFFFE000  }
0x24: {  	[spmem:s13] =	stream.linear.scatter [tilespmem:s22], [sflag:$0x2], $0x2000, $0x38;
	[tilespmem:$0x1D800] =	vst v63  }
0x25: {  	_ =	swait.ge [sflag:s23], $0x2000  }
0x26: {  	[sflag:s23] =	ssyncset.done $0x0  }
0x27: {  	[sflag:s23] =	ssyncadd.s32 $0xFFFFE000  }
0x28: {  	[spmem:s14] =	stream.linear.scatter [tilespmem:s22], [sflag:$0x2], $0x2000, $0x38;
	[tilespmem:$0x1D800] =	vst v63  }
0x29: {  	_ =	swait.ge [sflag:s23], $0x2000  }
0x2a: {  	[sflag:s23] =	ssyncset.done $0x0  }
0x2b: {  	[sflag:s23] =	ssyncadd.s32 $0xFFFFE000  }
0x2c: {  	[spmem:s15] =	stream.linear.scatter [tilespmem:s22], [sflag:$0x2], $0x2000, $0x38;
	[tilespmem:$0x1D800] =	vst v63  }
0x2d: {  	_ =	swait.ge [sflag:s23], $0x2000  }
0x2e: {  	[sflag:s23] =	ssyncset.done $0x0  }
0x2f: {  	[sflag:s23] =	ssyncadd.s32 $0xFFFFE000  }
0x30: {  	[spmem:s16] =	stream.linear.scatter [tilespmem:s22], [sflag:$0x2], $0x2000, $0x38;
	[tilespmem:$0x1D800] =	vst v63  }
0x31: {  	_ =	swait.ge [sflag:s23], $0x2000  }
0x32: {  	[sflag:s23] =	ssyncset.done $0x0  }
0x33: {  	[sflag:s23] =	ssyncadd.s32 $0xFFFFE000  }
0x34: {  	[spmem:s17] =	stream.linear.scatter [tilespmem:s22], [sflag:$0x2], $0x2000, $0x38;
	[tilespmem:$0x1D800] =	vst v63  }
0x35: {  	_ =	swait.ge [sflag:s23], $0x2000  }
0x36: {  	[sflag:s23] =	ssyncset.done $0x0  }
0x37: {  	[sflag:s23] =	ssyncadd.s32 $0xFFFFE000  }
0x38: {  	[spmem:s18] =	stream.linear.scatter [tilespmem:s22], [sflag:$0x2], $0x2000, $0x38;
	[tilespmem:$0x1D800] =	vst v63  }
0x39: {  	_ =	swait.ge [sflag:s23], $0x2000  }
0x3a: {  	[sflag:s23] =	ssyncset.done $0x0  }
0x3b: {  	[sflag:s23] =	ssyncadd.s32 $0xFFFFE000  }
0x3c: {  	[spmem:s19] =	stream.linear.scatter [tilespmem:s22], [sflag:$0x2], $0x2000, $0x38;
	[tilespmem:$0x1D800] =	vst v63  }
0x3d: {  	_ =	swait.ge [sflag:s23], $0x2000  }
0x3e: {  	[sflag:s23] =	ssyncset.done $0x0  }
0x3f: {  	[sflag:s23] =	ssyncadd.s32 $0xFFFFE000  }
0x40: {  	[spmem:s20] =	stream.linear.scatter [tilespmem:s22], [sflag:$0x2], $0x2000, $0x38;
	[tilespmem:$0x1D800] =	vst v63  }
0x41: {  	_ =	swait.ge [sflag:s23], $0x2000  }
0x42: {  	[sflag:s23] =	ssyncset.done $0x0  }
0x43: {  	[sflag:s23] =	ssyncadd.s32 $0xFFFFE000  }
0x44: {  	[spmem:s21] =	stream.linear.scatter [tilespmem:s22], [sflag:$0x2], $0x2000, $0x38;
	[tilespmem:$0x1D800] =	vst v63  }
0x45: {  	_ =	swait.ge [sflag:s23], $0x2000  }
0x46: {  	[sflag:s23] =	ssyncset.done $0x0  }
0x47: {  	[sflag:s23] =	ssyncadd.s32 $0xFFFFE000  }
0x48: {  	s0 =	simm.s32 $0x0;
	[bflag:$0x0] =	sbarrier.arrive $0xFFFF  }
0x49: {  	[tilespmem:s0], [sflag:$0x2] =	stream.linear.gather [hbm4b:s6+s0], $0x1900, $0x38;
	[tilespmem:$0x1D800] =	vst v63  }
0x4a: {  	_ =	swait.ge [sflag:s23], $0x1900  }
0x4b: {  	[sflag:s23] =	ssyncset.done $0x0  }
0x4c: {  	[sflag:s23] =	ssyncadd.s32 $0xFFFFE700  }
0x4d: {  	[tilespmem:s24], [sflag:$0x2] =	stream.linear.gather [hbm4b:s7+s0], $0x1900, $0x38;
	[tilespmem:$0x1D800] =	vst v63  }
0x4e: {  	_ =	swait.ge [sflag:s23], $0x1900  }
0x4f: {  	[sflag:s23] =	ssyncset.done $0x0  }
0x50: {  	s2 =	simm.s32 $0x0;
	[sflag:s23] =	ssyncadd.s32 $0xFFFFE700  }
0x51: {  	[tilespmem:s26], [sflag:$0x1] =	stream.indirect.gather [hbm4b:s4+s25], $0x80, s2, s25, $0xb8;
	[tilespmem:$0x1D800] =	vst v63  }
0x52: {  	_ =	swait.ge [sflag:s28], $0x4000  }
0x53: {  	[sflag:s28] =	ssyncset.done $0x0  }
0x54: {  	s31 =	simm.s32 $0x1C00;
	[sflag:s28] =	ssyncadd.s32 $0xFFFFC000  }
0x55: {  	[spmem:s1] =	stream.indirect.scatter.add.f32 [tilespmem:s26], [sflag:$0x2], $0x80, s31, s25, $0xb8;
	[tilespmem:$0x1D800] =	vst v63  }
0x56: {  	_ =	swait.ge [sflag:s23], $0x4000  }
0x57: {  	s30 =	simm.s32 $0x200;
	s0 =	simm.s32 $0x400;
	[sflag:s23] =	ssyncset.done $0x0  }
.LBB2_4:
0x58: {  	s2 =	sshra.s32 s30, $0x2  }
0x59: {  	[sflag:s23] =	ssyncadd.s32 $0xFFFFC000;
	s30 =	smov.u32 s0;
	s31 =	sadd.s32 $0x200, s0  }
0x5a: {  	[tilespmem:s26], [sflag:$0x1] =	stream.indirect.gather [hbm4b:s4+s25], $0x80, s2, s25, $0xb8;
	[tilespmem:$0x1D800] =	vst v63  }
0x5b: {  	p0 =	sne.s32 s0, $0x6200;
	_ =	swait.ge [sflag:s28], $0x4000  }
.Ltmp1:
0x5c: {  	[sflag:s28] =	ssyncset.done $0x0;
	(pc) =	sbr.rel @p0 .LBB2_4-.Ltmp1, $4  }
0x5d: {  	s0 =	sadd.s32 $0x1C00, s2;
	[sflag:s28] =	ssyncadd.s32 $0xFFFFC000  }
0x5e: {  	[spmem:s1] =	stream.indirect.scatter.add.f32 [tilespmem:s26], [sflag:$0x2], $0x80, s0, s25, $0xb8;
	[tilespmem:$0x1D800] =	vst v63  }
0x5f: {  	_ =	swait.ge [sflag:s23], $0x4000  }
0x60: {  	s0 =	smov.u32 s31;
	[sflag:s23] =	ssyncset.done $0x0  }
0x61: {  	s0 =	sshra.s32 s30, $0x2;
	[sflag:s23] =	ssyncadd.s32 $0xFFFFC000  }
0x62: {  	[tilespmem:s26], [sflag:$0x1] =	stream.indirect.gather [hbm4b:s4+s25], $0x80, s0, s25, $0xb8;
	[tilespmem:$0x1D800] =	vst v63  }
0x63: {  	_ =	swait.ge [sflag:s28], $0x4000  }
0x64: {  	[sflag:s28] =	ssyncset.done $0x0  }
0x65: {  	s0 =	sadd.s32 $0x1C00, s0;
	[sflag:s28] =	ssyncadd.s32 $0xFFFFC000  }
0x66: {  	[spmem:s1] =	stream.indirect.scatter.add.f32 [tilespmem:s26], [sflag:$0x2], $0x80, s0, s25, $0xb8;
	[tilespmem:$0x1D800] =	vst v63  }
0x67: {  	_ =	swait.ge [sflag:s23], $0x4000  }
0x68: {  	[sflag:s23] =	ssyncset.done $0x0  }
0x69: {  	s30 =	simm.s32 $0x0;
	[sflag:s23] =	ssyncadd.s32 $0xFFFFC000  }
0x6a: {  	[tilespmem:s30], [sflag:$0x2] =	stream.linear.gather [hbm4b:s9+s30], $0x1900, $0x38;
	[tilespmem:$0x1D800] =	vst v63  }
0x6b: {  	_ =	swait.ge [sflag:s23], $0x1900  }
0x6c: {  	[sflag:s23] =	ssyncset.done $0x0  }
0x6d: {  	s31 =	simm.s32 $0x1C00;
	[sflag:s23] =	ssyncadd.s32 $0xFFFFE700  }
0x6e: {  	[tilespmem:s31], [sflag:$0x2] =	stream.linear.gather [hbm4b:s10+s30], $0x1900, $0x38;
	[tilespmem:$0x1D800] =	vst v63  }
0x6f: {  	_ =	swait.ge [sflag:s23], $0x1900  }
0x70: {  	[sflag:s23] =	ssyncset.done $0x0  }
0x71: {  	[sflag:s23] =	ssyncadd.s32 $0xFFFFE700  }
0x72: {  	[tilespmem:s26], [sflag:$0x1] =	stream.indirect.gather [hbm4b:s4+s25], $0x80, s30, s25, $0xb8;
	[tilespmem:$0x1D800] =	vst v63  }
0x73: {  	p0 =	sne.s32 s8, $0x1;
	_ =	swait.ge [sflag:s28], $0x4000  }
.Ltmp2:
0x74: {  	[sflag:s28] =	ssyncset.done $0x0;
	(pc) =	sbr.rel @!p0 .LBB2_7-.Ltmp2, $4  }
0x75: {  	[sflag:s28] =	ssyncadd.s32 $0xFFFFC000  }
0x76: {  	[spmem:s1] =	stream.indirect.scatter.add.f32 [tilespmem:s26], [sflag:$0x2], $0x80, s31, s25, $0xb8;
	[tilespmem:$0x1D800] =	vst v63  }
0x77: {  	_ =	swait.ge [sflag:s23], $0x4000  }
0x78: {  	s0 =	sadd.s32 $0xFFFFFFFF, s8;
	[sflag:s23] =	ssyncset.done $0x0  }
.LBB2_6:
0x79: {  	[sflag:s23] =	ssyncadd.s32 $0xFFFFC000;
	s30 =	sadd.s32 $0x80, s30;
	s31 =	sadd.s32 $0x80, s31  }
0x7a: {  	[tilespmem:s26], [sflag:$0x1] =	stream.indirect.gather [hbm4b:s4+s25], $0x80, s30, s25, $0xb8;
	[tilespmem:$0x1D800] =	vst v63  }
0x7b: {  	p0 =	sne.s32 s0, $0x1;
	s0 =	sadd.s32 $0xFFFFFFFF, s0;
	_ =	swait.ge [sflag:s28], $0x4000  }
.Ltmp3:
0x7c: {  	[sflag:s28] =	ssyncset.done $0x0;
	(pc) =	sbr.rel @p0 .LBB2_6-.Ltmp3, $4  }
0x7d: {  	[sflag:s28] =	ssyncadd.s32 $0xFFFFC000  }
0x7e: {  	[spmem:s1] =	stream.indirect.scatter.add.f32 [tilespmem:s26], [sflag:$0x2], $0x80, s31, s25, $0xb8;
	[tilespmem:$0x1D800] =	vst v63  }
0x7f: {  	_ =	swait.ge [sflag:s23], $0x4000  }
0x80: {  	[sflag:s23] =	ssyncset.done $0x0  }
.LBB2_7:
0x81: {  	[sflag:s23] =	ssyncadd.s32 $0xFFFFC000;
	s0 =	stileid.u32;
	s29 =	sadd.s32 $0x1, s29  }
0x82: {  	s2 =	sshrl.u32 s5, $0x3;
	s0 =	sshll.u32 s0, $0x6;
	p0 =	sne.s32 s29, s12  }
.Ltmp4:
0x83: {  	[bflag:$0x0] =	sbarrier.arrive $0xFFFF;
	s0 =	sor.u32 $0x1C02, s0;
	(pc) =	sbr.rel @p0 .LBB2_1-.Ltmp4, $4  }
0x84: {  	[hbm:s11], [sflag:s0] =	dma.local [spmem:s2], $0x2800  }
0x85: {  	_ =	swait.ge [sflag:s23], $0x2800  }
0x86: {  	[sflag:s23] =	ssyncset.done $0x0  }
0x87: {  	[sflag:s23] =	ssyncadd.s32 $0xFFFFD800  }
0x88: {  	_ =	sfence.sel $0x180000  }
0x89: {  	[bflag:$0x0] =	sbarrier.arrive $0xFFFF  }
0x8a: {  	_ =	strace $0x9000004A  }
0x8b: {  	s0 =	stileid.u32;
	[bflag:$0x2] =	sbarrier.arrive $0xFFFF  }
0x8c: {  	p0 =	sne.s32 s0, $0x0;
	s0 =	rddreg [dreg:$0x4]  }
0x8d: {  	s0 =	sadd.s32 @!p0 $0x100000, s0  }
0x8e: {  	[sflag:s0] =	ssyncadd.tile.s32 @!p0 $0x1;
	_ =	shalt  }
.Lfunc_end2:
_tile_overlayer_lowered:
.L_overlay_start_2:
0x8f: {  	(tag) =	ssettag $0x2  }
0x90: {  	s0 =	rddreg [dreg:$0x0];
	s2 =	stileid.u32  }
0x91: {  	s1 =	rddreg [dreg:$0x1];
	p0 =	sne.s32 s2, $0x0  }
0x92: {  	s3 =	rddreg [dreg:$0x2];
	[bflag:$0x3] =	sbarrier.arrive $0xFFFF;
	s2 =	simm.s32 @!p0 $0x1C02  }
0x93: {  	[timem:s3], [sflag:s2] =	dma.local @!p0 [hbm:s0], s1  }
0x94: {  	s0 =	simm.s32 @!p0 $0x2  }
0x95: {  	_ =	swait.ge @!p0 [sflag:s0], s1  }
0x96: {  	s1 =	ssub.s32 @!p0 $0x0, s1;
	[sflag:s0] =	ssyncset.done @!p0 $0x0  }
0x97: {  	[sflag:s0] =	ssyncadd.s32 @!p0 s1  }
0x98: {  	[bflag:$0x3] =	sbarrier.arrive $0xFFFF  }
0x99: {  	_ =	shalt  }

// kernel: kernel.14.cloned.1.call-start
scs
__scs_entry_jumppad:
0x0: {  	(pc) =	sbr.rel $0x88, $3  }
0x1: {  	(tag) =	ssettag $0x0;
	lr =	simm.s32 $0x1  }
0x2: {  	[smem:$0x3F99] =	sst lr;
	_ =	strace $0xD0000000  }
0x3: {  	_ = 	snop  }
0x4: {  	_ = 	snop  }
0x5: {  	_ = 	snop  }
0x6: {  	_ = 	snop  }
0x7: {  	_ = 	snop  }
__scs_overlays_trampoline_lowered:
0x8: {  	[smem:$0x3FA8] =	sst s0  }
0x9: {  	[smem:$0x3FA9] =	sst s1  }
0xa: {  	[smem:$0x3FAA] =	sst s2  }
0xb: {  	[smem:$0x3FAB] =	sst s3  }
0xc: {  	[smem:$0x3FAC] =	sst s4  }
0xd: {  	[smem:$0x3FAD] =	sst s5  }
0xe: {  	[smem:$0x3FAE] =	sst s6  }
0xf: {  	[smem:$0x3FAF] =	sst s7  }
0x10: {  	[smem:$0x3FB0] =	sst s8  }
0x11: {  	[smem:$0x3FB1] =	sst s9;
	s0 =	simm.s32 @!p0 $0x0  }
0x12: {  	s1 =	sld [smem:$0x3F97];
	s0 =	simm.s32 @p0 $0x1  }
0x13: {  	[smem:$0x3FB2] =	sst s0;
	s0 =	simm.s32 @!p1 $0x0  }
0x14: {  	s2 =	sld [smem:$0x3F96];
	s0 =	simm.s32 @p1 $0x1  }
0x15: {  	[smem:$0x3FB3] =	sst s0;
	s0 =	simm.s32 @!p2 $0x0  }
0x16: {  	s3 =	sld [smem:$0x3FDB];
	s0 =	simm.s32 @p2 $0x1  }
0x17: {  	s4 =	simm.s32 $0x1BF5;
	[smem:$0x3FB5] =	sst s0  }
0x18: {  	s0 =	sld [smem:$0x3F98];
	_ =	swait.ge [sflag:s4], $0x0  }
0x19: {  	s7 =	sld [smem:$0x3F99]  }
0x1a: {  	s8 =	sadd.s32 $0xFFFFE003, lr  }
0x1b: {  	s9 =	sadd.s32 $0xFFFFFEF7, lr;
	s5 =	simm.s32 $0xFFFFFFFF;
	p2 =	slt.u32 s8, $0xFFFFF086  }
0x1c: {  	p1 =	slt.u32 s9, $0xF7A;
	s5 =	simm.s32 @!p2 $0x0  }
0x1d: {  	s5 =	simm.s32 @p1 $0x1;
	p0 =	seq.s32 s7, s2  }
0x1e: {  	s7 =	smul.u32 @!p0 $0xF7A, s2;
	p2 =	seq.s32 @!p0 s5, $0x0  }
0x1f: {  	s9 =	smul.u32 $0xF7A, s1;
	s8 =	simm.s32 @!p0 $0x1BF5;
	p2 =	por !p2, p0  }
0x20: {  	[sflag:s8] =	ssyncset.s32 @!p0 $0xFFFFF086;
	s6 =	sadd.s32 @!p0 s3, s7;
	s7 =	simm.s32 @!p0 $0x108  }
0x21: {  	s3 =	sadd.s32 s3, s9;
	s6 =	sadd.s32 @!p0 $0x88, s6;
	s7 =	simm.s32 @p2 $0x1082  }
0x22: {  	[simem:s7], [sflag:s8] =	dma.local @!p0 [hbm:s6], $0xF7A  }
0x23: {  	s9 =	sor.u32 $0xD0000000, s2;
	s6 =	simm.s32 $0x108;
	_ =	swait.ge @!p0 [sflag:s8], $0x0  }
0x24: {  	s3 =	sadd.s32 $0x88, s3;
	s6 =	simm.s32 @!p1 $0x1082;
	[sflag:s4] =	ssyncset.s32 $0xFFFFF086  }
0x25: {  	[simem:s6], [sflag:s4] =	dma.local [hbm:s3], $0xF7A  }
0x26: {  	[smem:$0x3F99] =	sst s1;
	(tag) =	ssettag s2;
	_ =	strace s9  }
0x27: {  	s1 =	sld [smem:$0x3FA9]  }
0x28: {  	s2 =	sld [smem:$0x3FAA]  }
0x29: {  	s4 =	sld [smem:$0x3FAC]  }
0x2a: {  	p0 =	seq.s32 s5, $0x0;
	s5 =	sld [smem:$0x3FAD]  }
0x2b: {  	s6 =	sld [smem:$0x3FAE]  }
0x2c: {  	s7 =	sld [smem:$0x3FAF]  }
0x2d: {  	s3 =	simm.s32 $0x108;
	s8 =	sld [smem:$0x3FB0]  }
0x2e: {  	s3 =	simm.s32 @!p0 $0x1082;
	s9 =	sld [smem:$0x3FB1]  }
0x2f: {  	lr =	sadd.s32 s0, s3;
	s0 =	sld [smem:$0x3FA8]  }
0x30: {  	s3 =	sld [smem:$0x3FAB]  }
0x31: {  	[smem:$0x3FB4] =	sst s10  }
0x32: {  	s10 =	sld [smem:$0x3FB2];
	_ =	sdelay $0x3  }
0x33: {  	p0 =	seq.s32 s10, $0x1;
	s10 =	sld [smem:$0x3FB4];
	_ =	sdelay $0x3  }
0x34: {  	[smem:$0x3FB4] =	sst s10  }
0x35: {  	s10 =	sld [smem:$0x3FB3];
	_ =	sdelay $0x3  }
0x36: {  	p1 =	seq.s32 s10, $0x1;
	s10 =	sld [smem:$0x3FB4];
	_ =	sdelay $0x3  }
0x37: {  	[smem:$0x3FB4] =	sst s10  }
0x38: {  	s10 =	sld [smem:$0x3FB5]  }
0x39: {  	_ = 	snop;
	(pc) =	sbr.ind lr, $3  }
0x3a: {  	_ = 	snop  }
0x3b: {  	_ = 	snop  }
0x3c: {  	p2 =	seq.s32 s10, $0x1;
	s10 =	sld [smem:$0x3FB4]  }
0x3d: {  	_ =	shalt  }
0x3e: {  	_ =	shalt  }
0x3f: {  	_ =	shalt  }
0x40: {  	_ =	shalt  }
0x41: {  	_ =	shalt  }
0x42: {  	_ =	shalt  }
0x43: {  	_ =	shalt  }
0x44: {  	_ =	shalt  }
0x45: {  	_ =	shalt  }
0x46: {  	_ =	shalt  }
0x47: {  	_ =	shalt  }
0x48: {  	_ =	shalt  }
0x49: {  	_ =	shalt  }
0x4a: {  	_ =	shalt  }
0x4b: {  	_ =	shalt  }
0x4c: {  	_ =	shalt  }
0x4d: {  	_ =	shalt  }
0x4e: {  	_ =	shalt  }
0x4f: {  	_ =	shalt  }
0x50: {  	_ =	shalt  }
0x51: {  	_ =	shalt  }
0x52: {  	_ =	shalt  }
0x53: {  	_ =	shalt  }
0x54: {  	_ =	shalt  }
0x55: {  	_ =	shalt  }
0x56: {  	_ =	shalt  }
0x57: {  	_ =	shalt  }
0x58: {  	_ =	shalt  }
0x59: {  	_ =	shalt  }
0x5a: {  	_ =	shalt  }
0x5b: {  	_ =	shalt  }
0x5c: {  	_ =	shalt  }
0x5d: {  	_ =	shalt  }
0x5e: {  	_ =	shalt  }
0x5f: {  	_ =	shalt  }
0x60: {  	_ =	shalt  }
0x61: {  	_ =	shalt  }
0x62: {  	_ =	shalt  }
0x63: {  	_ =	shalt  }
0x64: {  	_ =	shalt  }
0x65: {  	_ =	shalt  }
0x66: {  	_ =	shalt  }
0x67: {  	_ =	shalt  }
0x68: {  	_ =	shalt  }
0x69: {  	_ =	shalt  }
0x6a: {  	_ =	shalt  }
0x6b: {  	_ =	shalt  }
0x6c: {  	_ =	shalt  }
0x6d: {  	_ =	shalt  }
0x6e: {  	_ =	shalt  }
0x6f: {  	_ =	shalt  }
0x70: {  	_ =	shalt  }
0x71: {  	_ =	shalt  }
0x72: {  	_ =	shalt  }
0x73: {  	_ =	shalt  }
0x74: {  	_ =	shalt  }
0x75: {  	_ =	shalt  }
0x76: {  	_ =	shalt  }
0x77: {  	_ =	shalt  }
0x78: {  	_ =	shalt  }
0x79: {  	_ =	shalt  }
0x7a: {  	_ =	shalt  }
0x7b: {  	_ =	shalt  }
0x7c: {  	_ =	shalt  }
0x7d: {  	_ =	shalt  }
0x7e: {  	_ =	shalt  }
0x7f: {  	_ =	shalt  }
0x80: {  	_ =	shalt  }
0x81: {  	_ =	shalt  }
0x82: {  	_ =	shalt  }
0x83: {  	_ =	shalt  }
0x84: {  	_ =	shalt  }
0x85: {  	_ =	shalt  }
0x86: {  	_ =	shalt  }
0x87: {  	_ =	shalt  }
.Lfunc_end0:
.L_simem_size_0:
called_computation.2_lowered:
.L_overlay_start_0:
0x88: {  	s2 =	sld [smem:$0x3FD9]  }
0x89: {  	s3 =	sld [smem:$0x3FFE];
	_ =	sdelay $0x1  }
0x8a: {  	s1 =	srdreg.scid  }
0x8b: {  	s0 =	sand.u32 $0x1, s1  }
0x8c: {  	s14 =	sshll.u32 s0, $0xA;
	s2 =	sadd.s32 s3, s2  }
0x8d: {  	s2 =	sadd.s32 s2, s14  }
0x8e: {  	[smem:$0x3FC0] =	sst s2  }
0x8f: {  	_ = 	snop  }
0x90: {  	s2 =	sld [smem:$0x3FD0];
	_ =	sdelay $0x2  }
0x91: {  	s15 =	simm.s32 $0xA;
	s4 =	simm.s32 $0x10  }
0x92: {  	[smem:s4], [sflag:s15] =	dma.local [hbm:s2], $0x1  }
0x93: {  	_ =	swait.eq [sflag:s15], $0x1  }
0x94: {  	[sflag:s15] =	ssyncset.done $0x0  }
0x95: {  	s16 =	sld [smem:$0x10];
	[sflag:s15] =	ssyncadd.s32 $0xFFFFFFFF  }
0x96: {  	s17 =	sld [smem:$0x11];
	(tm) =	ssettm $0x1  }
0x97: {  	s18 =	sld [smem:$0x3FFB];
	_ =	sdelay $0x3  }
0x98: {  	_ =	strace s18  }
0x99: {  	s4 =	sld [smem:$0x3FFC];
	_ =	sdelay $0x3  }
0x9a: {  	_ =	strace s4  }
0x9b: {  	s4 =	sld [smem:$0x3FFD];
	_ =	sdelay $0x3  }
0x9c: {  	_ =	strace s4  }
0x9d: {  	_ =	strace $0x8FFFFFFF  }
0x9e: {  	s19 =	sld [smem:$0x3FDB];
	_ =	sdelay $0x1  }
0x9f: {  	s5 =	simm.s32 $_scs_section_size  }
0xa0: {  	s6 =	simm.s32 $_size__tile_overlayer_lowered;
	s7 =	simm.s32 $_tile_overlayer_lowered  }
0xa1: {  	s22 =	simm.s32 $0x1BFF;
	s21 =	sshll.u32 s7, $0x1;
	s4 =	sadd.s32 s5, s19  }
0xa2: {  	s8 =	simm.s32 $0x0;
	s20 =	sshll.u32 s6, $0x1;
	s6 =	sadd.s32 s21, s4  }
0xa3: {  	[timem:s8], [sflag:s22] =	dma.local [hbm:s6], s20  }
0xa4: {  	_ =	swait.ge [sflag:s22], s20  }
0xa5: {  	s5 =	ssub.s32 $0x0, s20;
	[sflag:s22] =	ssyncset.done $0x0  }
0xa6: {  	[sflag:s22] =	ssyncadd.s32 s5;
	_ =	sdelay $0x1  }
0xa7: {  	s23 =	simm.s32 $0x1B8B  }
0xa8: {  	_ =	swait.ge [sflag:s23], $0x1  }
0xa9: {  	[sflag:s23] =	ssyncset.done $0x0  }
0xaa: {  	s25 =	simm.s32 $0x1B8E;
	s24 =	sld [smem:$0x3FFE];
	[sflag:s23] =	ssyncadd.s32 $0xFFFFFFFF  }
0xab: {  	s26 =	simm.s32 $execute0_lowered;
	[smem:$0x3FD2] =	sst s25  }
0xac: {  	s6 =	sshll.u32 s26, $0x1;
	_ =	strace $0x8000004C;
	[dreg:$0x1] =	wrdreg $0xFFFFFFFF  }
0xad: {  	s28 =	simm.s32 $_size_execute0_lowered;
	s4 =	sadd.s32 s4, s6;
	[dreg:$0x0] =	wrdreg $0x0  }
0xae: {  	s6 =	sshll.u32 s28, $0x1;
	[dreg:$0x2] =	wrdreg s4  }
0xaf: {  	[dreg:$0x3] =	wrdreg s6  }
0xb0: {  	[dreg:$0x4] =	wrdreg $0xC0  }
0xb1: {  	_ =	task [dreg:s8], $0x5FFFF  }
0xb2: {  	[dreg:$0x1] =	wrdreg $0xFFFFFFFF  }
0xb3: {  	[dreg:$0x0] =	wrdreg $0x60  }
0xb4: {  	[dreg:$0x2] =	wrdreg s24  }
0xb5: {  	[dreg:$0x3] =	wrdreg s17  }
0xb6: {  	[dreg:$0x4] =	wrdreg s16  }
0xb7: {  	[dreg:$0x5] =	wrdreg $0x98000  }
0xb8: {  	[dreg:$0x6] =	wrdreg $0x9  }
0xb9: {  	_ =	task.clear_ibuf [dreg:s8], $0x7FFFF;
	_ =	strace $0x9000004C  }
0xba: {  	s29 =	simm.s32 $0x9;
	_ =	strace $0x8000004E  }
0xbb: {  	_ =	swait.ge [sflag:s29], $0x1  }
0xbc: {  	[sflag:s29] =	ssyncadd.s32 $0xFFFFFFFF  }
0xbd: {  	_ =	strace $0x9000004E  }
0xbe: {  	_ =	sfence  }
0xbf: {  	s30 =	sld [smem:$0x0];
	_ =	sdelay $0x2  }
0xc0: {  	s31 =	sshll.u32 s1, $0xD;
	s1 =	sshrl.u32 s1, $0x2  }
0xc1: {  	s3 =	sand.u32 $0x4000, s31;
	s1 =	sadd.s32 s1, s30  }
0xc2: {  	s0 =	sor.u32 s3, s0;
	s1 =	sshll.u32 s1, $0x11  }
0xc3: {  	s0 =	sor.u32 s1, s0  }
0xc4: {  	s0 =	sadd.s32 $0x8F2B, s0  }
0xc5: {  	[sflag:s0] =	ssyncadd.remote.s32 $0x1  }
0xc6: {  	_ =	sfence.sel $0xFFFF  }
0xc7: {  	[dreg:$0x0] =	wrdreg $0xFFFFFFFF;
	(pc) =	sbr.abs _section_cstart, $3  }
0xc8: {  	[dreg:$0x1] =	wrdreg $0xFFFFFFFF  }
0xc9: {  	_ =	task.clear_ibuf [dreg:s8], $0x2FFFF;
	_ =	strace $0x9FFFFFFF  }
0xca: {  	(tm) =	ssettm $0x7FFFFFFF  }
0xcb: {  	_ =	shalt  }
tec
execute0_lowered:
.L_overlay_start_1:
0x0: {  	(tag) =	ssettag $0x1  }
0x1: {  	s0 =	rddreg [dreg:$0x0]  }
0x2: {  	s9 =	rddreg [dreg:$0x1]  }
0x3: {  	s10 =	rddreg [dreg:$0x2]  }
0x4: {  	s1 =	rddreg [dreg:$0x3];
	s3 =	simm.s32 $0x0;
	s2 =	srdreg.scid  }
0x5: {  	s25 =	stileid.u32;
	s22 =	simm.s32 $0x7800;
	s23 =	simm.s32 $0x2  }
0x6: {  	s24 =	simm.s32 $0x1C00;
	s28 =	simm.s32 $0x1;
	s29 =	simm.s32 $0x0  }
0x7: {  	[smem:$0x7FF] =	sst s3;
	s6 =	sand.u32 $0x1, s2;
	s7 =	smul.u32 $0x14000, s25  }
0x8: {  	s4 =	sadd.s32 $0x2600, s0;
	s11 =	sshll.u32 s25, $0x1;
	s26 =	smul.u32 $0x50000, s25  }
0x9: {  	s25 =	simm.s32 $0x80;
	s5 =	smul.u32 $0x140000, s6;
	s8 =	sshll.u32 s6, $0x5  }
0xa: {  	_ =	strace $0x8000004D;
	s30 =	ssub.s32 $0x2, s6;
	s8 =	sor.u32 s11, s8  }
0xb: {  	p0 =	seq.s32 s6, $0x0;
	s13 =	sshrl.u32 s30, $0x1;
	s12 =	smul.u32 $0x380, s8  }
0xc: {  	s5 =	sadd.s32 s7, s5;
	s7 =	sshrl.u32 s26, $0x2;
	s8 =	smul.u32 $0x1C00, s8  }
0xd: {  	s13 =	ssub.s32 s30, s13;
	s26 =	simm.s32 $0x3800;
	s5 =	sshrl.u32 s5, $0x3  }
0xe: {  	s0 =	sadd.s32 s5, s0;
	s5 =	sadd.s32 s7, s1;
	s6 =	sadd.s32 s9, s12  }
0xf: {  	s8 =	sshrl.u32 s8, $0x3;
	s7 =	sadd.s32 s10, s12;
	s12 =	smax.u32 s13, $0x1  }
0x10: {  	s31 =	sadd.s32 $0x380, s8;
	s8 =	simm.s32 $0x31;
	s11 =	sadd.s32 $0x2A600, s0  }
0x11: {  	s13 =	sadd.s32 $0x2000, s5;
	s14 =	sadd.s32 $0x4000, s5;
	s15 =	sadd.s32 $0x6000, s5  }
0x12: {  	s16 =	sadd.s32 $0x8000, s5;
	s17 =	sadd.s32 $0xA000, s5;
	s18 =	sadd.s32 $0xC000, s5  }
0x13: {  	s19 =	sadd.s32 $0xE000, s5;
	s20 =	sadd.s32 $0x10000, s5;
	s21 =	sadd.s32 $0x12000, s5  }
0x14: {  	v0 =	vimm.f32 $0.0e+00;
	s9 =	sadd.s32 s9, s31;
	s10 =	sadd.s32 s10, s31;
	s8 =	simm.s32 @!p0 $0x9  }
.LBB2_1:
0x15: {  	s0 =	sand.u32 $0x7E00, s3  }
0x16: {  	s30 =	sand.u32 $0x70, s3;
	s31 =	sshrl.u32 s0, $0x2  }
0x17: {  	s0 =	simm.s32 $0x40;
	s31 =	sor.u32 s30, s31;
	s30 =	simm.s32 $0x0  }
.LBB2_2:
0x18: {  	p0 =	sne.s32 s0, $0x7FC0  }
0x19: {  	[tilespmem:s31+$0x7800] =	vst v0;
	s30 =	sadd.s32 $0x10, s30;
	s31 =	smov.u32 s0;
	s0 =	sadd.s32 $0x40, s0  }
.Ltmp0:
0x1a: {  	(pc) =	sbr.rel @p0 .LBB2_2-.Ltmp0, $4  }
0x1b: {  	_ = 	snop  }
0x1c: {  	s31 =	sand.u32 $0x7E00, s31  }
0x1d: {  	s2 =	sand.u32 $0x70, s30;
	s31 =	sshrl.u32 s31, $0x2  }
0x1e: {  	s31 =	sor.u32 s2, s31  }
0x1f: {  	[tilespmem:s31+$0x7800] =	vst v0  }
0x20: {  	[spmem:s5] =	stream.linear.scatter [tilespmem:s22], [sflag:$0x2], $0x2000, $0x38;
	[tilespmem:$0x1D800] =	vst v63  }
0x21: {  	_ =	swait.ge [sflag:s23], $0x2000  }
0x22: {  	[sflag:s23] =	ssyncset.done $0x0  }
0x23: {  	[sflag:s23] =	ssyncadd.s32 $0xFFFFE000  }
0x24: {  	[spmem:s13] =	stream.linear.scatter [tilespmem:s22], [sflag:$0x2], $0x2000, $0x38;
	[tilespmem:$0x1D800] =	vst v63  }
0x25: {  	_ =	swait.ge [sflag:s23], $0x2000  }
0x26: {  	[sflag:s23] =	ssyncset.done $0x0  }
0x27: {  	[sflag:s23] =	ssyncadd.s32 $0xFFFFE000  }
0x28: {  	[spmem:s14] =	stream.linear.scatter [tilespmem:s22], [sflag:$0x2], $0x2000, $0x38;
	[tilespmem:$0x1D800] =	vst v63  }
0x29: {  	_ =	swait.ge [sflag:s23], $0x2000  }
0x2a: {  	[sflag:s23] =	ssyncset.done $0x0  }
0x2b: {  	[sflag:s23] =	ssyncadd.s32 $0xFFFFE000  }
0x2c: {  	[spmem:s15] =	stream.linear.scatter [tilespmem:s22], [sflag:$0x2], $0x2000, $0x38;
	[tilespmem:$0x1D800] =	vst v63  }
0x2d: {  	_ =	swait.ge [sflag:s23], $0x2000  }
0x2e: {  	[sflag:s23] =	ssyncset.done $0x0  }
0x2f: {  	[sflag:s23] =	ssyncadd.s32 $0xFFFFE000  }
0x30: {  	[spmem:s16] =	stream.linear.scatter [tilespmem:s22], [sflag:$0x2], $0x2000, $0x38;
	[tilespmem:$0x1D800] =	vst v63  }
0x31: {  	_ =	swait.ge [sflag:s23], $0x2000  }
0x32: {  	[sflag:s23] =	ssyncset.done $0x0  }
0x33: {  	[sflag:s23] =	ssyncadd.s32 $0xFFFFE000  }
0x34: {  	[spmem:s17] =	stream.linear.scatter [tilespmem:s22], [sflag:$0x2], $0x2000, $0x38;
	[tilespmem:$0x1D800] =	vst v63  }
0x35: {  	_ =	swait.ge [sflag:s23], $0x2000  }
0x36: {  	[sflag:s23] =	ssyncset.done $0x0  }
0x37: {  	[sflag:s23] =	ssyncadd.s32 $0xFFFFE000  }
0x38: {  	[spmem:s18] =	stream.linear.scatter [tilespmem:s22], [sflag:$0x2], $0x2000, $0x38;
	[tilespmem:$0x1D800] =	vst v63  }
0x39: {  	_ =	swait.ge [sflag:s23], $0x2000  }
0x3a: {  	[sflag:s23] =	ssyncset.done $0x0  }
0x3b: {  	[sflag:s23] =	ssyncadd.s32 $0xFFFFE000  }
0x3c: {  	[spmem:s19] =	stream.linear.scatter [tilespmem:s22], [sflag:$0x2], $0x2000, $0x38;
	[tilespmem:$0x1D800] =	vst v63  }
0x3d: {  	_ =	swait.ge [sflag:s23], $0x2000  }
0x3e: {  	[sflag:s23] =	ssyncset.done $0x0  }
0x3f: {  	[sflag:s23] =	ssyncadd.s32 $0xFFFFE000  }
0x40: {  	[spmem:s20] =	stream.linear.scatter [tilespmem:s22], [sflag:$0x2], $0x2000, $0x38;
	[tilespmem:$0x1D800] =	vst v63  }
0x41: {  	_ =	swait.ge [sflag:s23], $0x2000  }
0x42: {  	[sflag:s23] =	ssyncset.done $0x0  }
0x43: {  	[sflag:s23] =	ssyncadd.s32 $0xFFFFE000  }
0x44: {  	[spmem:s21] =	stream.linear.scatter [tilespmem:s22], [sflag:$0x2], $0x2000, $0x38;
	[tilespmem:$0x1D800] =	vst v63  }
0x45: {  	_ =	swait.ge [sflag:s23], $0x2000  }
0x46: {  	[sflag:s23] =	ssyncset.done $0x0  }
0x47: {  	[sflag:s23] =	ssyncadd.s32 $0xFFFFE000  }
0x48: {  	s0 =	simm.s32 $0x0;
	[bflag:$0x0] =	sbarrier.arrive $0xFFFF  }
0x49: {  	[tilespmem:s0], [sflag:$0x2] =	stream.linear.gather [hbm4b:s6+s0], $0x1900, $0x38;
	[tilespmem:$0x1D800] =	vst v63  }
0x4a: {  	_ =	swait.ge [sflag:s23], $0x1900  }
0x4b: {  	[sflag:s23] =	ssyncset.done $0x0  }
0x4c: {  	[sflag:s23] =	ssyncadd.s32 $0xFFFFE700  }
0x4d: {  	[tilespmem:s24], [sflag:$0x2] =	stream.linear.gather [hbm4b:s7+s0], $0x1900, $0x38;
	[tilespmem:$0x1D800] =	vst v63  }
0x4e: {  	_ =	swait.ge [sflag:s23], $0x1900  }
0x4f: {  	[sflag:s23] =	ssyncset.done $0x0  }
0x50: {  	s2 =	simm.s32 $0x0;
	[sflag:s23] =	ssyncadd.s32 $0xFFFFE700  }
0x51: {  	[tilespmem:s26], [sflag:$0x1] =	stream.indirect.gather [hbm4b:s4+s25], $0x80, s2, s25, $0xb8;
	[tilespmem:$0x1D800] =	vst v63  }
0x52: {  	_ =	swait.ge [sflag:s28], $0x4000  }
0x53: {  	[sflag:s28] =	ssyncset.done $0x0  }
0x54: {  	s31 =	simm.s32 $0x1C00;
	[sflag:s28] =	ssyncadd.s32 $0xFFFFC000  }
0x55: {  	[spmem:s1] =	stream.indirect.scatter.add.f32 [tilespmem:s26], [sflag:$0x2], $0x80, s31, s25, $0xb8;
	[tilespmem:$0x1D800] =	vst v63  }
0x56: {  	_ =	swait.ge [sflag:s23], $0x4000  }
0x57: {  	s30 =	simm.s32 $0x200;
	s0 =	simm.s32 $0x400;
	[sflag:s23] =	ssyncset.done $0x0  }
.LBB2_4:
0x58: {  	s2 =	sshra.s32 s30, $0x2  }
0x59: {  	[sflag:s23] =	ssyncadd.s32 $0xFFFFC000;
	s30 =	smov.u32 s0;
	s31 =	sadd.s32 $0x200, s0  }
0x5a: {  	[tilespmem:s26], [sflag:$0x1] =	stream.indirect.gather [hbm4b:s4+s25], $0x80, s2, s25, $0xb8;
	[tilespmem:$0x1D800] =	vst v63  }
0x5b: {  	p0 =	sne.s32 s0, $0x6200;
	_ =	swait.ge [sflag:s28], $0x4000  }
.Ltmp1:
0x5c: {  	[sflag:s28] =	ssyncset.done $0x0;
	(pc) =	sbr.rel @p0 .LBB2_4-.Ltmp1, $4  }
0x5d: {  	s0 =	sadd.s32 $0x1C00, s2;
	[sflag:s28] =	ssyncadd.s32 $0xFFFFC000  }
0x5e: {  	[spmem:s1] =	stream.indirect.scatter.add.f32 [tilespmem:s26], [sflag:$0x2], $0x80, s0, s25, $0xb8;
	[tilespmem:$0x1D800] =	vst v63  }
0x5f: {  	_ =	swait.ge [sflag:s23], $0x4000  }
0x60: {  	s0 =	smov.u32 s31;
	[sflag:s23] =	ssyncset.done $0x0  }
0x61: {  	s0 =	sshra.s32 s30, $0x2;
	[sflag:s23] =	ssyncadd.s32 $0xFFFFC000  }
0x62: {  	[tilespmem:s26], [sflag:$0x1] =	stream.indirect.gather [hbm4b:s4+s25], $0x80, s0, s25, $0xb8;
	[tilespmem:$0x1D800] =	vst v63  }
0x63: {  	_ =	swait.ge [sflag:s28], $0x4000  }
0x64: {  	[sflag:s28] =	ssyncset.done $0x0  }
0x65: {  	s0 =	sadd.s32 $0x1C00, s0;
	[sflag:s28] =	ssyncadd.s32 $0xFFFFC000  }
0x66: {  	[spmem:s1] =	stream.indirect.scatter.add.f32 [tilespmem:s26], [sflag:$0x2], $0x80, s0, s25, $0xb8;
	[tilespmem:$0x1D800] =	vst v63  }
0x67: {  	_ =	swait.ge [sflag:s23], $0x4000  }
0x68: {  	[sflag:s23] =	ssyncset.done $0x0  }
0x69: {  	s30 =	simm.s32 $0x0;
	[sflag:s23] =	ssyncadd.s32 $0xFFFFC000  }
0x6a: {  	[tilespmem:s30], [sflag:$0x2] =	stream.linear.gather [hbm4b:s9+s30], $0x1900, $0x38;
	[tilespmem:$0x1D800] =	vst v63  }
0x6b: {  	_ =	swait.ge [sflag:s23], $0x1900  }
0x6c: {  	[sflag:s23] =	ssyncset.done $0x0  }
0x6d: {  	s31 =	simm.s32 $0x1C00;
	[sflag:s23] =	ssyncadd.s32 $0xFFFFE700  }
0x6e: {  	[tilespmem:s31], [sflag:$0x2] =	stream.linear.gather [hbm4b:s10+s30], $0x1900, $0x38;
	[tilespmem:$0x1D800] =	vst v63  }
0x6f: {  	_ =	swait.ge [sflag:s23], $0x1900  }
0x70: {  	[sflag:s23] =	ssyncset.done $0x0  }
0x71: {  	[sflag:s23] =	ssyncadd.s32 $0xFFFFE700  }
0x72: {  	[tilespmem:s26], [sflag:$0x1] =	stream.indirect.gather [hbm4b:s4+s25], $0x80, s30, s25, $0xb8;
	[tilespmem:$0x1D800] =	vst v63  }
0x73: {  	p0 =	sne.s32 s8, $0x1;
	_ =	swait.ge [sflag:s28], $0x4000  }
.Ltmp2:
0x74: {  	[sflag:s28] =	ssyncset.done $0x0;
	(pc) =	sbr.rel @!p0 .LBB2_7-.Ltmp2, $4  }
0x75: {  	[sflag:s28] =	ssyncadd.s32 $0xFFFFC000  }
0x76: {  	[spmem:s1] =	stream.indirect.scatter.add.f32 [tilespmem:s26], [sflag:$0x2], $0x80, s31, s25, $0xb8;
	[tilespmem:$0x1D800] =	vst v63  }
0x77: {  	_ =	swait.ge [sflag:s23], $0x4000  }
0x78: {  	s0 =	sadd.s32 $0xFFFFFFFF, s8;
	[sflag:s23] =	ssyncset.done $0x0  }
.LBB2_6:
0x79: {  	[sflag:s23] =	ssyncadd.s32 $0xFFFFC000;
	s30 =	sadd.s32 $0x80, s30;
	s31 =	sadd.s32 $0x80, s31  }
0x7a: {  	[tilespmem:s26], [sflag:$0x1] =	stream.indirect.gather [hbm4b:s4+s25], $0x80, s30, s25, $0xb8;
	[tilespmem:$0x1D800] =	vst v63  }
0x7b: {  	p0 =	sne.s32 s0, $0x1;
	s0 =	sadd.s32 $0xFFFFFFFF, s0;
	_ =	swait.ge [sflag:s28], $0x4000  }
.Ltmp3:
0x7c: {  	[sflag:s28] =	ssyncset.done $0x0;
	(pc) =	sbr.rel @p0 .LBB2_6-.Ltmp3, $4  }
0x7d: {  	[sflag:s28] =	ssyncadd.s32 $0xFFFFC000  }
0x7e: {  	[spmem:s1] =	stream.indirect.scatter.add.f32 [tilespmem:s26], [sflag:$0x2], $0x80, s31, s25, $0xb8;
	[tilespmem:$0x1D800] =	vst v63  }
0x7f: {  	_ =	swait.ge [sflag:s23], $0x4000  }
0x80: {  	[sflag:s23] =	ssyncset.done $0x0  }
.LBB2_7:
0x81: {  	[sflag:s23] =	ssyncadd.s32 $0xFFFFC000;
	s0 =	stileid.u32;
	s29 =	sadd.s32 $0x1, s29  }
0x82: {  	s2 =	sshrl.u32 s5, $0x3;
	s0 =	sshll.u32 s0, $0x6;
	p0 =	sne.s32 s29, s12  }
.Ltmp4:
0x83: {  	[bflag:$0x0] =	sbarrier.arrive $0xFFFF;
	s0 =	sor.u32 $0x1C02, s0;
	(pc) =	sbr.rel @p0 .LBB2_1-.Ltmp4, $4  }
0x84: {  	[hbm:s11], [sflag:s0] =	dma.local [spmem:s2], $0x2800  }
0x85: {  	_ =	swait.ge [sflag:s23], $0x2800  }
0x86: {  	[sflag:s23] =	ssyncset.done $0x0  }
0x87: {  	[sflag:s23] =	ssyncadd.s32 $0xFFFFD800  }
0x88: {  	_ =	sfence.sel $0x180000  }
0x89: {  	[bflag:$0x0] =	sbarrier.arrive $0xFFFF  }
0x8a: {  	_ =	strace $0x9000004D  }
0x8b: {  	s0 =	stileid.u32;
	[bflag:$0x2] =	sbarrier.arrive $0xFFFF  }
0x8c: {  	p0 =	sne.s32 s0, $0x0;
	s0 =	rddreg [dreg:$0x4]  }
0x8d: {  	s0 =	sadd.s32 @!p0 $0x100000, s0  }
0x8e: {  	[sflag:s0] =	ssyncadd.tile.s32 @!p0 $0x1;
	_ =	shalt  }
.Lfunc_end2:
_tile_overlayer_lowered:
.L_overlay_start_2:
0x8f: {  	(tag) =	ssettag $0x2  }
0x90: {  	s0 =	rddreg [dreg:$0x0];
	s2 =	stileid.u32  }
0x91: {  	s1 =	rddreg [dreg:$0x1];
	p0 =	sne.s32 s2, $0x0  }
0x92: {  	s3 =	rddreg [dreg:$0x2];
	[bflag:$0x3] =	sbarrier.arrive $0xFFFF;
	s2 =	simm.s32 @!p0 $0x1C02  }
0x93: {  	[timem:s3], [sflag:s2] =	dma.local @!p0 [hbm:s0], s1  }
0x94: {  	s0 =	simm.s32 @!p0 $0x2  }
0x95: {  	_ =	swait.ge @!p0 [sflag:s0], s1  }
0x96: {  	s1 =	ssub.s32 @!p0 $0x0, s1;
	[sflag:s0] =	ssyncset.done @!p0 $0x0  }
0x97: {  	[sflag:s0] =	ssyncadd.s32 @!p0 s1  }
0x98: {  	[bflag:$0x3] =	sbarrier.arrive $0xFFFF  }
0x99: {  	_ =	shalt  }

// kernel: kernel.8.cloned.1.call-start
scs
__scs_entry_jumppad:
0x0: {  	(pc) =	sbr.rel $0x88, $3  }
0x1: {  	(tag) =	ssettag $0x0;
	lr =	simm.s32 $0x1  }
0x2: {  	[smem:$0x3F99] =	sst lr;
	_ =	strace $0xD0000000  }
0x3: {  	_ = 	snop  }
0x4: {  	_ = 	snop  }
0x5: {  	_ = 	snop  }
0x6: {  	_ = 	snop  }
0x7: {  	_ = 	snop  }
__scs_overlays_trampoline_lowered:
0x8: {  	[smem:$0x3FA8] =	sst s0  }
0x9: {  	[smem:$0x3FA9] =	sst s1  }
0xa: {  	[smem:$0x3FAA] =	sst s2  }
0xb: {  	[smem:$0x3FAB] =	sst s3  }
0xc: {  	[smem:$0x3FAC] =	sst s4  }
0xd: {  	[smem:$0x3FAD] =	sst s5  }
0xe: {  	[smem:$0x3FAE] =	sst s6  }
0xf: {  	[smem:$0x3FAF] =	sst s7  }
0x10: {  	[smem:$0x3FB0] =	sst s8  }
0x11: {  	[smem:$0x3FB1] =	sst s9;
	s0 =	simm.s32 @!p0 $0x0  }
0x12: {  	s1 =	sld [smem:$0x3F97];
	s0 =	simm.s32 @p0 $0x1  }
0x13: {  	[smem:$0x3FB2] =	sst s0;
	s0 =	simm.s32 @!p1 $0x0  }
0x14: {  	s2 =	sld [smem:$0x3F96];
	s0 =	simm.s32 @p1 $0x1  }
0x15: {  	[smem:$0x3FB3] =	sst s0;
	s0 =	simm.s32 @!p2 $0x0  }
0x16: {  	s3 =	sld [smem:$0x3FDB];
	s0 =	simm.s32 @p2 $0x1  }
0x17: {  	s4 =	simm.s32 $0x1BF5;
	[smem:$0x3FB5] =	sst s0  }
0x18: {  	s0 =	sld [smem:$0x3F98];
	_ =	swait.ge [sflag:s4], $0x0  }
0x19: {  	s7 =	sld [smem:$0x3F99]  }
0x1a: {  	s8 =	sadd.s32 $0xFFFFE003, lr  }
0x1b: {  	s9 =	sadd.s32 $0xFFFFFEF7, lr;
	s5 =	simm.s32 $0xFFFFFFFF;
	p2 =	slt.u32 s8, $0xFFFFF086  }
0x1c: {  	p1 =	slt.u32 s9, $0xF7A;
	s5 =	simm.s32 @!p2 $0x0  }
0x1d: {  	s5 =	simm.s32 @p1 $0x1;
	p0 =	seq.s32 s7, s2  }
0x1e: {  	s7 =	smul.u32 @!p0 $0xF7A, s2;
	p2 =	seq.s32 @!p0 s5, $0x0  }
0x1f: {  	s9 =	smul.u32 $0xF7A, s1;
	s8 =	simm.s32 @!p0 $0x1BF5;
	p2 =	por !p2, p0  }
0x20: {  	[sflag:s8] =	ssyncset.s32 @!p0 $0xFFFFF086;
	s6 =	sadd.s32 @!p0 s3, s7;
	s7 =	simm.s32 @!p0 $0x108  }
0x21: {  	s3 =	sadd.s32 s3, s9;
	s6 =	sadd.s32 @!p0 $0x88, s6;
	s7 =	simm.s32 @p2 $0x1082  }
0x22: {  	[simem:s7], [sflag:s8] =	dma.local @!p0 [hbm:s6], $0xF7A  }
0x23: {  	s9 =	sor.u32 $0xD0000000, s2;
	s6 =	simm.s32 $0x108;
	_ =	swait.ge @!p0 [sflag:s8], $0x0  }
0x24: {  	s3 =	sadd.s32 $0x88, s3;
	s6 =	simm.s32 @!p1 $0x1082;
	[sflag:s4] =	ssyncset.s32 $0xFFFFF086  }
0x25: {  	[simem:s6], [sflag:s4] =	dma.local [hbm:s3], $0xF7A  }
0x26: {  	[smem:$0x3F99] =	sst s1;
	(tag) =	ssettag s2;
	_ =	strace s9  }
0x27: {  	s1 =	sld [smem:$0x3FA9]  }
0x28: {  	s2 =	sld [smem:$0x3FAA]  }
0x29: {  	s4 =	sld [smem:$0x3FAC]  }
0x2a: {  	p0 =	seq.s32 s5, $0x0;
	s5 =	sld [smem:$0x3FAD]  }
0x2b: {  	s6 =	sld [smem:$0x3FAE]  }
0x2c: {  	s7 =	sld [smem:$0x3FAF]  }
0x2d: {  	s3 =	simm.s32 $0x108;
	s8 =	sld [smem:$0x3FB0]  }
0x2e: {  	s3 =	simm.s32 @!p0 $0x1082;
	s9 =	sld [smem:$0x3FB1]  }
0x2f: {  	lr =	sadd.s32 s0, s3;
	s0 =	sld [smem:$0x3FA8]  }
0x30: {  	s3 =	sld [smem:$0x3FAB]  }
0x31: {  	[smem:$0x3FB4] =	sst s10  }
0x32: {  	s10 =	sld [smem:$0x3FB2];
	_ =	sdelay $0x3  }
0x33: {  	p0 =	seq.s32 s10, $0x1;
	s10 =	sld [smem:$0x3FB4];
	_ =	sdelay $0x3  }
0x34: {  	[smem:$0x3FB4] =	sst s10  }
0x35: {  	s10 =	sld [smem:$0x3FB3];
	_ =	sdelay $0x3  }
0x36: {  	p1 =	seq.s32 s10, $0x1;
	s10 =	sld [smem:$0x3FB4];
	_ =	sdelay $0x3  }
0x37: {  	[smem:$0x3FB4] =	sst s10  }
0x38: {  	s10 =	sld [smem:$0x3FB5]  }
0x39: {  	_ = 	snop;
	(pc) =	sbr.ind lr, $3  }
0x3a: {  	_ = 	snop  }
0x3b: {  	_ = 	snop  }
0x3c: {  	p2 =	seq.s32 s10, $0x1;
	s10 =	sld [smem:$0x3FB4]  }
0x3d: {  	_ =	shalt  }
0x3e: {  	_ =	shalt  }
0x3f: {  	_ =	shalt  }
0x40: {  	_ =	shalt  }
0x41: {  	_ =	shalt  }
0x42: {  	_ =	shalt  }
0x43: {  	_ =	shalt  }
0x44: {  	_ =	shalt  }
0x45: {  	_ =	shalt  }
0x46: {  	_ =	shalt  }
0x47: {  	_ =	shalt  }
0x48: {  	_ =	shalt  }
0x49: {  	_ =	shalt  }
0x4a: {  	_ =	shalt  }
0x4b: {  	_ =	shalt  }
0x4c: {  	_ =	shalt  }
0x4d: {  	_ =	shalt  }
0x4e: {  	_ =	shalt  }
0x4f: {  	_ =	shalt  }
0x50: {  	_ =	shalt  }
0x51: {  	_ =	shalt  }
0x52: {  	_ =	shalt  }
0x53: {  	_ =	shalt  }
0x54: {  	_ =	shalt  }
0x55: {  	_ =	shalt  }
0x56: {  	_ =	shalt  }
0x57: {  	_ =	shalt  }
0x58: {  	_ =	shalt  }
0x59: {  	_ =	shalt  }
0x5a: {  	_ =	shalt  }
0x5b: {  	_ =	shalt  }
0x5c: {  	_ =	shalt  }
0x5d: {  	_ =	shalt  }
0x5e: {  	_ =	shalt  }
0x5f: {  	_ =	shalt  }
0x60: {  	_ =	shalt  }
0x61: {  	_ =	shalt  }
0x62: {  	_ =	shalt  }
0x63: {  	_ =	shalt  }
0x64: {  	_ =	shalt  }
0x65: {  	_ =	shalt  }
0x66: {  	_ =	shalt  }
0x67: {  	_ =	shalt  }
0x68: {  	_ =	shalt  }
0x69: {  	_ =	shalt  }
0x6a: {  	_ =	shalt  }
0x6b: {  	_ =	shalt  }
0x6c: {  	_ =	shalt  }
0x6d: {  	_ =	shalt  }
0x6e: {  	_ =	shalt  }
0x6f: {  	_ =	shalt  }
0x70: {  	_ =	shalt  }
0x71: {  	_ =	shalt  }
0x72: {  	_ =	shalt  }
0x73: {  	_ =	shalt  }
0x74: {  	_ =	shalt  }
0x75: {  	_ =	shalt  }
0x76: {  	_ =	shalt  }
0x77: {  	_ =	shalt  }
0x78: {  	_ =	shalt  }
0x79: {  	_ =	shalt  }
0x7a: {  	_ =	shalt  }
0x7b: {  	_ =	shalt  }
0x7c: {  	_ =	shalt  }
0x7d: {  	_ =	shalt  }
0x7e: {  	_ =	shalt  }
0x7f: {  	_ =	shalt  }
0x80: {  	_ =	shalt  }
0x81: {  	_ =	shalt  }
0x82: {  	_ =	shalt  }
0x83: {  	_ =	shalt  }
0x84: {  	_ =	shalt  }
0x85: {  	_ =	shalt  }
0x86: {  	_ =	shalt  }
0x87: {  	_ =	shalt  }
.Lfunc_end0:
.L_simem_size_0:
called_computation_lowered:
.L_overlay_start_0:
0x88: {  	s2 =	sld [smem:$0x3FD9]  }
0x89: {  	s3 =	sld [smem:$0x3FFE];
	_ =	sdelay $0x1  }
0x8a: {  	s1 =	srdreg.scid  }
0x8b: {  	s0 =	sand.u32 $0x1, s1  }
0x8c: {  	s16 =	sshll.u32 s0, $0xA;
	s2 =	sadd.s32 s3, s2  }
0x8d: {  	s2 =	sadd.s32 s2, s16  }
0x8e: {  	[smem:$0x3FC0] =	sst s2  }
0x8f: {  	_ = 	snop  }
0x90: {  	(tm) =	ssettm $0x1  }
0x91: {  	s17 =	sld [smem:$0x3FFB];
	_ =	sdelay $0x3  }
0x92: {  	_ =	strace s17  }
0x93: {  	s2 =	sld [smem:$0x3FFC];
	_ =	sdelay $0x3  }
0x94: {  	_ =	strace s2  }
0x95: {  	s2 =	sld [smem:$0x3FFD];
	_ =	sdelay $0x3  }
0x96: {  	_ =	strace s2  }
0x97: {  	_ =	strace $0x8FFFFFFF  }
0x98: {  	s18 =	sld [smem:$0x3FDB];
	_ =	sdelay $0x1  }
0x99: {  	s19 =	simm.s32 $_scs_section_size  }
0x9a: {  	s4 =	simm.s32 $_size__tile_overlayer_lowered;
	s5 =	simm.s32 $_tile_overlayer_lowered  }
0x9b: {  	s22 =	simm.s32 $0x1BFF;
	s21 =	sshll.u32 s5, $0x1;
	s2 =	sadd.s32 s19, s18  }
0x9c: {  	s6 =	simm.s32 $0x0;
	s20 =	sshll.u32 s4, $0x1;
	s4 =	sadd.s32 s21, s2  }
0x9d: {  	[timem:s6], [sflag:s22] =	dma.local [hbm:s4], s20  }
0x9e: {  	_ =	swait.ge [sflag:s22], s20  }
0x9f: {  	s3 =	ssub.s32 $0x0, s20;
	[sflag:s22] =	ssyncset.done $0x0  }
0xa0: {  	[sflag:s22] =	ssyncadd.s32 s3;
	_ =	sdelay $0x1  }
0xa1: {  	s23 =	simm.s32 $0x1B8B  }
0xa2: {  	_ =	swait.ge [sflag:s23], $0x1  }
0xa3: {  	[sflag:s23] =	ssyncset.done $0x0  }
0xa4: {  	s25 =	simm.s32 $0x1B8E;
	s24 =	sld [smem:$0x3FFE];
	[sflag:s23] =	ssyncadd.s32 $0xFFFFFFFF  }
0xa5: {  	s26 =	simm.s32 $execute0_lowered;
	[smem:$0x3FD2] =	sst s25  }
0xa6: {  	s4 =	sshll.u32 s26, $0x1;
	_ =	strace $0x80000046;
	[dreg:$0x1] =	wrdreg $0xFFFFFFFF  }
0xa7: {  	s28 =	simm.s32 $_size_execute0_lowered;
	s2 =	sadd.s32 s2, s4;
	[dreg:$0x0] =	wrdreg $0x0  }
0xa8: {  	s4 =	sshll.u32 s28, $0x1;
	[dreg:$0x2] =	wrdreg s2  }
0xa9: {  	[dreg:$0x3] =	wrdreg s4  }
0xaa: {  	[dreg:$0x4] =	wrdreg $0xC0  }
0xab: {  	_ =	task [dreg:s6], $0x5FFFF  }
0xac: {  	[dreg:$0x1] =	wrdreg $0xFFFFFFFF  }
0xad: {  	[dreg:$0x0] =	wrdreg $0x60  }
0xae: {  	[dreg:$0x2] =	wrdreg s24  }
0xaf: {  	[dreg:$0x3] =	wrdreg $0x9  }
0xb0: {  	_ =	task.clear_ibuf [dreg:s6], $0x4FFFF;
	_ =	strace $0x90000046  }
0xb1: {  	s29 =	simm.s32 $0x9;
	_ =	strace $0x80000048  }
0xb2: {  	_ =	swait.ge [sflag:s29], $0x1  }
0xb3: {  	[sflag:s29] =	ssyncadd.s32 $0xFFFFFFFF  }
0xb4: {  	_ =	strace $0x90000048  }
0xb5: {  	_ =	sfence  }
0xb6: {  	s30 =	sld [smem:$0x0];
	_ =	sdelay $0x2  }
0xb7: {  	s31 =	sshll.u32 s1, $0xD;
	s1 =	sshrl.u32 s1, $0x2  }
0xb8: {  	s3 =	sand.u32 $0x4000, s31;
	s1 =	sadd.s32 s1, s30  }
0xb9: {  	s0 =	sor.u32 s3, s0;
	s1 =	sshll.u32 s1, $0x11  }
0xba: {  	s0 =	sor.u32 s1, s0  }
0xbb: {  	s0 =	sadd.s32 $0x8F2B, s0  }
0xbc: {  	[sflag:s0] =	ssyncadd.remote.s32 $0x1  }
0xbd: {  	_ =	sfence.sel $0xFFFF  }
0xbe: {  	[dreg:$0x0] =	wrdreg $0xFFFFFFFF;
	(pc) =	sbr.abs _section_cstart, $3  }
0xbf: {  	[dreg:$0x1] =	wrdreg $0xFFFFFFFF  }
0xc0: {  	_ =	task.clear_ibuf [dreg:s6], $0x2FFFF;
	_ =	strace $0x9FFFFFFF  }
0xc1: {  	(tm) =	ssettm $0x7FFFFFFF  }
tec
execute0_lowered:
.L_overlay_start_1:
0x0: {  	(tag) =	ssettag $0x1  }
0x1: {  	s0 =	srdreg.scid  }
0x2: {  	s5 =	rddreg [dreg:$0x0];
	s3 =	sand.u32 $0x1, s0  }
0x3: {  	s2 =	simm.s32 $0x0;
	s0 =	stileid.u32;
	s1 =	sshll.u32 s3, $0x4  }
0x4: {  	s8 =	simm.s32 $0x80;
	s9 =	simm.s32 $0x400;
	s4 =	sor.u32 s0, s1  }
0x5: {  	s10 =	simm.s32 $0x0;
	[smem:$0x7FF] =	sst s2;
	s1 =	sshrl.u32 s4, $0x3  }
0x6: {  	s7 =	sshll.u32 s0, $0x7;
	s3 =	ssub.s32 $0x2, s3;
	s6 =	smul.u32 $0x14000, s1  }
0x7: {  	s7 =	sand.u32 $0x380, s7;
	s31 =	sshrl.u32 s3, $0x1;
	s4 =	smul.u32 $0x500, s4  }
0x8: {  	s1 =	rddreg [dreg:$0x1];
	_ =	strace $0x80000047;
	s6 =	sor.u32 s7, s6  }
0x9: {  	s4 =	sadd.s32 s4, s5;
	s7 =	simm.s32 $0x2800;
	s6 =	sshrl.u32 s6, $0x3  }
0xa: {  	s5 =	sadd.s32 s6, s5;
	s6 =	ssub.s32 s3, s31;
	s3 =	sadd.s32 $0x2600, s4  }
0xb: {  	v0 =	vimm.f32 $0.0e+00;
	v1 =	vimm.f32 $1.000000000e+00;
	s4 =	sadd.s32 $0xC600, s5;
	s5 =	smax.u32 s6, $0x1;
	s6 =	simm.s32 $0x1  }
.LBB2_1:
0xc: {  	[tilespmem:s2], [sflag:$0x1] =	stream.linear.gather [hbm4b:s3+s2], $0x2780, $0x38;
	[tilespmem:$0x5000] =	vst v63  }
0xd: {  	_ =	swait.ge [sflag:s6], $0x2780  }
0xe: {  	[sflag:s6] =	ssyncset.done $0x0  }
0xf: {  	s11 =	simm.s32 $0x0;
	[sflag:s6] =	ssyncadd.s32 $0xFFFFD880  }
.LBB2_2:
0x10: {  	p0 =	sne.s32 s11, $0x9FC0  }
.Ltmp0:
0x11: {  	_ = 	snop;
	(pc) =	sbr.rel @p0 .LBB2_2-.Ltmp0, $3  }
0x12: {  	_ =	sdelay $0x1  }
0x13: {  	s12 =	sshra.s32 s11, $0x2  }
0x14: {  	s11 =	sadd.s32 $0x40, s11;
	[tilespmem:s12+$0x2800] =	vst v0  }
0x15: {  	s11 =	simm.s32 $0x0  }
.LBB2_4:
0x16: {  	s12 =	sshra.s32 s11, $0x2  }
0x17: {  	v2 =	vld [tilespmem:s12+$0x0];
	_ =	sdelay $0x7  }
0x18: {  	[tilespmem:v2+s7+$0x0] =	vst.idx.add.f32.msk $0xffff, v1  }
0x19: {  	v2 =	vld [tilespmem:s12+$0x10];
	_ =	sdelay $0x7  }
0x1a: {  	[tilespmem:v2+s7+$0x0] =	vst.idx.add.f32.msk $0xffff, v1  }
0x1b: {  	v2 =	vld [tilespmem:s12+$0x20];
	_ =	sdelay $0x7  }
0x1c: {  	[tilespmem:v2+s7+$0x0] =	vst.idx.add.f32.msk $0xffff, v1  }
0x1d: {  	v2 =	vld [tilespmem:s12+$0x30];
	_ =	sdelay $0x7  }
0x1e: {  	[tilespmem:v2+s7+$0x0] =	vst.idx.add.f32.msk $0xffff, v1  }
0x1f: {  	v2 =	vld [tilespmem:s12+$0x40];
	_ =	sdelay $0x7  }
0x20: {  	[tilespmem:v2+s7+$0x0] =	vst.idx.add.f32.msk $0xffff, v1  }
0x21: {  	v2 =	vld [tilespmem:s12+$0x50];
	_ =	sdelay $0x7  }
0x22: {  	[tilespmem:v2+s7+$0x0] =	vst.idx.add.f32.msk $0xffff, v1  }
0x23: {  	v2 =	vld [tilespmem:s12+$0x60];
	_ =	sdelay $0x7  }
0x24: {  	[tilespmem:v2+s7+$0x0] =	vst.idx.add.f32.msk $0xffff, v1  }
0x25: {  	v2 =	vld [tilespmem:s12+$0x70];
	_ =	sdelay $0x2  }
0x26: {  	p0 =	sne.s32 s11, $0x9C00  }
.Ltmp1:
0x27: {  	_ = 	snop;
	(pc) =	sbr.rel @p0 .LBB2_4-.Ltmp1, $2  }
0x28: {  	_ =	sdelay $0x2  }
0x29: {  	s11 =	sadd.s32 $0x200, s11;
	[tilespmem:v2+s7+$0x0] =	vst.idx.add.f32.msk $0xffff, v1  }
0x2a: {  	s10 =	sadd.s32 $0x1, s10  }
0x2b: {  	p0 =	sne.s32 s10, s5  }
.Ltmp2:
0x2c: {  	_ = 	snop;
	(pc) =	sbr.rel @p0 .LBB2_1-.Ltmp2, $4  }
0x2d: {  	[hbm4b:s4+s8] =	stream.strided.scatter [tilespmem:s7], [sflag:$0x1], $0x2800, s9, s8, $0x38;
	[tilespmem:$0x5000] =	vst v63  }
0x2e: {  	_ =	swait.ge [sflag:s6], $0x2800  }
0x2f: {  	[sflag:s6] =	ssyncset.done $0x0  }
0x30: {  	[sflag:s6] =	ssyncadd.s32 $0xFFFFD800  }
0x31: {  	_ =	sfence.sel $0x180000  }
0x32: {  	[bflag:$0x0] =	sbarrier.arrive $0xFFFF  }
0x33: {  	p0 =	sne.s32 s0, $0x0;
	_ =	strace $0x90000047  }
0x34: {  	s0 =	sadd.s32 @!p0 $0x100000, s1;
	[bflag:$0x2] =	sbarrier.arrive $0xFFFF  }
0x35: {  	[sflag:s0] =	ssyncadd.tile.s32 @!p0 $0x1;
	_ =	shalt  }
.Lfunc_end2:
_tile_overlayer_lowered:
.L_overlay_start_2:
0x36: {  	(tag) =	ssettag $0x2  }
0x37: {  	s0 =	rddreg [dreg:$0x0];
	s2 =	stileid.u32  }
0x38: {  	s1 =	rddreg [dreg:$0x1];
	p0 =	sne.s32 s2, $0x0  }
0x39: {  	s3 =	rddreg [dreg:$0x2];
	[bflag:$0x3] =	sbarrier.arrive $0xFFFF;
	s2 =	simm.s32 @!p0 $0x1C01  }
0x3a: {  	[timem:s3], [sflag:s2] =	dma.local @!p0 [hbm:s0], s1  }
0x3b: {  	s0 =	simm.s32 @!p0 $0x1  }
0x3c: {  	_ =	swait.ge @!p0 [sflag:s0], s1  }
0x3d: {  	s1 =	ssub.s32 @!p0 $0x0, s1;
	[sflag:s0] =	ssyncset.done @!p0 $0x0  }
0x3e: {  	[sflag:s0] =	ssyncadd.s32 @!p0 s1  }
0x3f: {  	[bflag:$0x3] =	sbarrier.arrive $0xFFFF  }
0x40: {  	_ =	shalt  }

</sc_bundles>
